<compile_context>
chip_gen: v7x
topology: tpu7x:2x2x1
jax: 0.10.2.dev20260603
libtpu: 0.0.44.dev20260713+nightly
codegen_flags: <defaults>
</compile_context>

<pallas_src>
import functools

import jax
import jax.numpy as jnp
from jax import lax
from jax.experimental import pallas as pl
from jax.experimental.pallas import tpu as pltpu
from jax.experimental.pallas import tpu_sc as plsc

_NC = 2
_NS = 16
_NW = _NC * _NS

_DIM = 32
_B = 16384
_S = 200
_TOK = 512
_BT = _TOK // 128


@jax.jit
def _embed_gather_t(xt_flat, table):
    mesh = plsc.VectorSubcoreMesh(core_axis_name="c", subcore_axis_name="s")

    @functools.partial(
        pl.kernel,
        mesh=mesh,
        out_type=jax.ShapeDtypeStruct(
            (_S, _DIM // 8, _B // 128, 8, 128), jnp.float32
        ),
        scratch_types=[
            pltpu.VMEM((2, _TOK), jnp.int32),
            pltpu.VMEM((2, _TOK, _DIM), jnp.float32),
            pltpu.VMEM((2, _BT, _DIM // 8, 8, 129), jnp.float32),
            pltpu.SemaphoreType.DMA((2,)),
            pltpu.SemaphoreType.DMA((2,)),
            pltpu.SemaphoreType.DMA((2,)),
        ],
        compiler_params=pltpu.CompilerParams(
            use_tc_tiling_on_sc=False, needs_layout_passes=False
        ),
    )
    def k(xt_hbm, table_hbm, out_hbm, idx_v, rows_v, out_v, isem, gsem, osem):
        wid = lax.axis_index("s") * _NC + lax.axis_index("c")
        b0 = wid * _TOK
        base_iota = lax.iota(jnp.int32, 16)
        dt_ids = [(base_iota + 16 * h) // 8 for h in range(2)]
        di_ids = [lax.rem(base_iota + 16 * h, 8) for h in range(2)]

        def idx_copy(s, bi, sem):
            return pltpu.make_async_copy(
                xt_hbm.at[pl.ds(s * _B + b0, _TOK)], idx_v.at[bi], sem.at[bi]
            )

        def gather_copy(bi):
            return pltpu.make_async_copy(
                table_hbm.at[idx_v.at[bi]], rows_v.at[bi], gsem.at[bi]
            )

        def write_copies(s, bi):
            return [
                pltpu.make_async_copy(
                    out_v.at[bi, :, dt, :, pl.ds(0, 128)],
                    out_hbm.at[s, dt, pl.ds(_BT * wid, _BT)],
                    osem.at[bi],
                )
                for dt in range(_DIM // 8)
            ]

        def start_write(s, bi):
            for c in write_copies(s, bi):
                c.start()

        def wait_write(s, bi):
            for c in write_copies(s, bi):
                c.wait()

        def transpose(bi):
            @functools.partial(plsc.parallel_loop, 0, _TOK // 16)
            def tbody(tt):
                t0 = tt * 16
                for k_ in range(16):
                    t = t0 + k_
                    btl = lax.div(t, 128)
                    col = lax.rem(t, 128)
                    btl_v = jnp.broadcast_to(btl, (16,))
                    col_v = jnp.broadcast_to(col, (16,))
                    for h in range(2):
                        v = rows_v[bi, t, pl.ds(16 * h, 16)]
                        plsc.store_scatter(
                            out_v.at[bi],
                            [btl_v, dt_ids[h], di_ids[h], col_v],
                            v,
                        )

        idx_copy(0, 0, isem).start()
        idx_copy(0, 0, isem).wait()
        gather_copy(0).start()
        idx_copy(1, 1, isem).start()

        def body(i2, _):
            s0 = i2 * 2

            idx_copy(s0 + 1, 1, isem).wait()
            gather_copy(1).start()
            gather_copy(0).wait()

            @pl.when(i2 <= (_S // 2 - 2))
            def _():
                idx_copy(s0 + 2, 0, isem).start()

            @pl.when(i2 >= 1)
            def _():
                wait_write(s0 - 2, 0)

            transpose(0)
            start_write(s0, 0)

            gather_copy(1).wait()

            @pl.when(i2 <= (_S // 2 - 2))
            def _():
                idx_copy(s0 + 2, 0, isem).wait()
                gather_copy(0).start()
                idx_copy(s0 + 3, 1, isem).start()

            @pl.when(i2 >= 1)
            def _():
                wait_write(s0 - 1, 1)

            transpose(1)
            start_write(s0 + 1, 1)
            return 0

        lax.fori_loop(0, _S // 2, body, 0)
        wait_write(_S - 2, 0)
        wait_write(_S - 1, 1)

    return k(xt_flat, table)


def kernel(x, table):
    xt_flat = x.T.reshape(_S * _B).astype(jnp.int32)
    out5 = _embed_gather_t(xt_flat, table)
    return out5.transpose(2, 4, 0, 1, 3).reshape(_B, _S, _DIM)

# --- scband reference (transcript-rebuilt; emitter-appended) ---
"""Pipeline reference for scband-embed-52055003628229 (READ-ONLY COPY).

The authoritative reference and input builder live on the scoring server;
editing this copy changes nothing except your own understanding.
"""

import jax, jax.numpy as jnp
import numpy as np

VOCAB = 1000000
DIM = 32
PAD_IDX = 0


def setup_inputs(seed: int = 0) -> dict:
    key = jax.random.key(seed)
    k1, k2 = jax.random.split(key)
    x = jax.random.randint(k1, (16384, 200), 0, VOCAB, dtype=jnp.int64)
    table = jax.random.normal(k2, (VOCAB, DIM), dtype=jnp.float32)
    # padding_idx row is initialized to zero in torch nn.Embedding
    table = table.at[PAD_IDX].set(0.0)
    return {"x": x, "table": table}


def reference(x, table):
    # nn.Embedding forward: row gather from the table
    return jnp.take(table, x, axis=0)

if __name__ == "__main__":
    import jax
    _d = setup_inputs()
    print(jax.jit(kernel)(*tuple(_d.values())))

</pallas_src>

<mosaic_0001>
#map = affine_map<(d0, d1) -> (0)>
#map1 = affine_map<(d0, d1) -> (0, 0)>
#map2 = affine_map<(d0, d1) -> (0, 0, 0, 0, 0)>
module attributes {stable_mosaic.version = 14 : i64} {
  func.func @k(%arg0: i32, %arg1: i32, %arg2: memref<3276800xi32, #tpu.memory_space<hbm>>, %arg3: memref<1000000x32xf32, #tpu.memory_space<hbm>>, %arg4: memref<200x4x128x8x128xf32, #tpu.memory_space<hbm>>, %arg5: memref<2x512xi32, #tpu.memory_space<vmem>>, %arg6: memref<2x512x32xf32, #tpu.memory_space<vmem>>, %arg7: memref<2x4x4x8x129xf32, #tpu.memory_space<vmem>>, %arg8: memref<2x!tpu.dma_semaphore, #tpu.memory_space<semaphore_mem>>, %arg9: memref<2x!tpu.dma_semaphore, #tpu.memory_space<semaphore_mem>>, %arg10: memref<2x!tpu.dma_semaphore, #tpu.memory_space<semaphore_mem>>) attributes {dimension_semantics = [#tpu.dimension_semantics<core_parallel>, #tpu.dimension_semantics<subcore_parallel>], iteration_bounds = array<i64: 2, 16>, scalar_prefetch = 0 : i64, scratch_operands = 6 : i64, tpu.core_type = #tpu.core_type<sc_vector_subcore>, window_params = [{transform_indices = #map}, {transform_indices = #map1}, {transform_indices = #map2}]} {
    %mul3A = arith.constant 2 : i32
    %mul3A_0 = arith.muli %arg1, %mul3A : i32
    %add3A = arith.addi %mul3A_0, %arg0 : i32
    %mul3A_1 = arith.constant 512 : i32
    %mul3A_2 = arith.muli %add3A, %mul3A_1 : i32
    %iota3A = tpu.iota {dimensions = array<i32: 0>} : vector<16xi32>
    %add3A_3 = arith.constant 0 : i32
    %add3A_4 = vector.broadcast %add3A_3 : i32 to vector<16xi32>
    %add3A_5 = arith.addi %iota3A, %add3A_4 : vector<16xi32>
    %jit3A = arith.constant 8 : i32
    %div3A = vector.broadcast %jit3A : i32 to vector<16xi32>
    %div3A_6 = arith.divsi %add3A_5, %div3A : vector<16xi32>
    %sign3A = arith.constant 0 : i32
    %sign3A_7 = vector.broadcast %sign3A : i32 to vector<16xi32>
    %sign3A_8 = arith.cmpi sgt, %add3A_5, %sign3A_7 : vector<16xi32>
    %sign3A_9 = arith.extui %sign3A_8 : vector<16xi1> to vector<16xi32>
    %sign3A_10 = arith.constant 0 : i32
    %sign3A_11 = vector.broadcast %sign3A_10 : i32 to vector<16xi32>
    %sign3A_12 = arith.cmpi slt, %add3A_5, %sign3A_11 : vector<16xi32>
    %sign3A_13 = arith.extui %sign3A_12 : vector<16xi1> to vector<16xi32>
    %sign3A_14 = arith.subi %sign3A_9, %sign3A_13 : vector<16xi32>
    %sign3A_15 = arith.constant 0 : i32
    %sign3A_16 = arith.cmpi sgt, %jit3A, %sign3A_15 : i32
    %sign3A_17 = arith.extui %sign3A_16 : i1 to i32
    %sign3A_18 = arith.constant 0 : i32
    %sign3A_19 = arith.cmpi slt, %jit3A, %sign3A_18 : i32
    %sign3A_20 = arith.extui %sign3A_19 : i1 to i32
    %sign3A_21 = arith.subi %sign3A_17, %sign3A_20 : i32
    %ne3A = vector.broadcast %sign3A_21 : i32 to vector<16xi32>
    %ne3A_22 = arith.cmpi ne, %sign3A_14, %ne3A : vector<16xi32>
    %rem3A = vector.broadcast %jit3A : i32 to vector<16xi32>
    %rem3A_23 = arith.remsi %add3A_5, %rem3A : vector<16xi32>
    %ne3A_24 = arith.constant 0 : i32
    %ne3A_25 = vector.broadcast %ne3A_24 : i32 to vector<16xi32>
    %ne3A_26 = arith.cmpi ne, %rem3A_23, %ne3A_25 : vector<16xi32>
    %and3A = arith.andi %ne3A_22, %ne3A_26 : vector<16xi1>
    %sub3A = arith.constant 1 : i32
    %sub3A_27 = vector.broadcast %sub3A : i32 to vector<16xi32>
    %sub3A_28 = arith.subi %div3A_6, %sub3A_27 : vector<16xi32>
    %select_n3A = arith.select %and3A, %sub3A_28, %div3A_6 : vector<16xi1>, vector<16xi32>
    %add3A_29 = arith.constant 16 : i32
    %add3A_30 = vector.broadcast %add3A_29 : i32 to vector<16xi32>
    %add3A_31 = arith.addi %iota3A, %add3A_30 : vector<16xi32>
    %jit3A_32 = arith.constant 8 : i32
    %div3A_33 = vector.broadcast %jit3A_32 : i32 to vector<16xi32>
    %div3A_34 = arith.divsi %add3A_31, %div3A_33 : vector<16xi32>
    %sign3A_35 = arith.constant 0 : i32
    %sign3A_36 = vector.broadcast %sign3A_35 : i32 to vector<16xi32>
    %sign3A_37 = arith.cmpi sgt, %add3A_31, %sign3A_36 : vector<16xi32>
    %sign3A_38 = arith.extui %sign3A_37 : vector<16xi1> to vector<16xi32>
    %sign3A_39 = arith.constant 0 : i32
    %sign3A_40 = vector.broadcast %sign3A_39 : i32 to vector<16xi32>
    %sign3A_41 = arith.cmpi slt, %add3A_31, %sign3A_40 : vector<16xi32>
    %sign3A_42 = arith.extui %sign3A_41 : vector<16xi1> to vector<16xi32>
    %sign3A_43 = arith.subi %sign3A_38, %sign3A_42 : vector<16xi32>
    %sign3A_44 = arith.constant 0 : i32
    %sign3A_45 = arith.cmpi sgt, %jit3A_32, %sign3A_44 : i32
    %sign3A_46 = arith.extui %sign3A_45 : i1 to i32
    %sign3A_47 = arith.constant 0 : i32
    %sign3A_48 = arith.cmpi slt, %jit3A_32, %sign3A_47 : i32
    %sign3A_49 = arith.extui %sign3A_48 : i1 to i32
    %sign3A_50 = arith.subi %sign3A_46, %sign3A_49 : i32
    %ne3A_51 = vector.broadcast %sign3A_50 : i32 to vector<16xi32>
    %ne3A_52 = arith.cmpi ne, %sign3A_43, %ne3A_51 : vector<16xi32>
    %rem3A_53 = vector.broadcast %jit3A_32 : i32 to vector<16xi32>
    %rem3A_54 = arith.remsi %add3A_31, %rem3A_53 : vector<16xi32>
    %ne3A_55 = arith.constant 0 : i32
    %ne3A_56 = vector.broadcast %ne3A_55 : i32 to vector<16xi32>
    %ne3A_57 = arith.cmpi ne, %rem3A_54, %ne3A_56 : vector<16xi32>
    %and3A_58 = arith.andi %ne3A_52, %ne3A_57 : vector<16xi1>
    %sub3A_59 = arith.constant 1 : i32
    %sub3A_60 = vector.broadcast %sub3A_59 : i32 to vector<16xi32>
    %sub3A_61 = arith.subi %div3A_34, %sub3A_60 : vector<16xi32>
    %select_n3A_62 = arith.select %and3A_58, %sub3A_61, %div3A_34 : vector<16xi1>, vector<16xi32>
    %add3A_63 = arith.constant 0 : i32
    %add3A_64 = vector.broadcast %add3A_63 : i32 to vector<16xi32>
    %add3A_65 = arith.addi %iota3A, %add3A_64 : vector<16xi32>
    %rem3A_66 = arith.constant 8 : i32
    %rem3A_67 = vector.broadcast %rem3A_66 : i32 to vector<16xi32>
    %rem3A_68 = arith.remsi %add3A_65, %rem3A_67 : vector<16xi32>
    %add3A_69 = arith.constant 16 : i32
    %add3A_70 = vector.broadcast %add3A_69 : i32 to vector<16xi32>
    %add3A_71 = arith.addi %iota3A, %add3A_70 : vector<16xi32>
    %rem3A_72 = arith.constant 8 : i32
    %rem3A_73 = vector.broadcast %rem3A_72 : i32 to vector<16xi32>
    %rem3A_74 = arith.remsi %add3A_71, %rem3A_73 : vector<16xi32>
    %add3A_75 = arith.constant 0 : i32
    %add3A_76 = arith.addi %add3A_75, %mul3A_2 : i32
    %dma_start3A = arith.constant 0 : i32
    %dma_start3A_77 = arith.constant 0 : i32
    %dma_start3A_78 = arith.constant 0 : i32
    %dma_start3A_79 = tpu.memref_slice %arg5[%dma_start3A, %dma_start3A_78] : memref<2x512xi32, #tpu.memory_space<vmem>> -> memref<1x512xi32, #tpu.memory_space<vmem>>
    %dma_start3A_80 = tpu.memref_squeeze %dma_start3A_79 : memref<1x512xi32, #tpu.memory_space<vmem>> -> memref<512xi32, #tpu.memory_space<vmem>>
    %dma_start3A_81 = tpu.memref_slice %arg2[%add3A_76] : memref<3276800xi32, #tpu.memory_space<hbm>> -> memref<512xi32, #tpu.memory_space<hbm>>
    %dma_start3A_82 = tpu.memref_slice %arg8[%dma_start3A_77] : memref<2x!tpu.dma_semaphore, #tpu.memory_space<semaphore_mem>> -> memref<1x!tpu.dma_semaphore, #tpu.memory_space<semaphore_mem>>
    %dma_start3A_83 = tpu.memref_squeeze %dma_start3A_82 : memref<1x!tpu.dma_semaphore, #tpu.memory_space<semaphore_mem>> -> memref<!tpu.dma_semaphore, #tpu.memory_space<semaphore_mem>>
    %dma_start3A_84 = arith.constant 0 : i32
    %dma_start3A_85 = tpu.memref_slice %arg5[%dma_start3A, %dma_start3A_84] : memref<2x512xi32, #tpu.memory_space<vmem>> -> memref<1x512xi32, #tpu.memory_space<vmem>>
    %dma_start3A_86 = tpu.memref_squeeze %dma_start3A_85 : memref<1x512xi32, #tpu.memory_space<vmem>> -> memref<512xi32, #tpu.memory_space<vmem>>
    %dma_start3A_87 = tpu.memref_slice %arg2[%add3A_76] : memref<3276800xi32, #tpu.memory_space<hbm>> -> memref<512xi32, #tpu.memory_space<hbm>>
    tpu.enqueue_dma source(%dma_start3A_87 : memref<512xi32, #tpu.memory_space<hbm>>) target(%dma_start3A_86 : memref<512xi32, #tpu.memory_space<vmem>>) target_semaphore(%dma_start3A_83 : memref<!tpu.dma_semaphore, #tpu.memory_space<semaphore_mem>>)
    %add3A_88 = arith.constant 0 : i32
    %add3A_89 = arith.addi %add3A_88, %mul3A_2 : i32
    %dma_wait3A = arith.constant 0 : i32
    %dma_wait3A_90 = arith.constant 0 : i32
    %dma_wait3A_91 = arith.constant 0 : i32
    %dma_wait3A_92 = tpu.memref_slice %arg5[%dma_wait3A, %dma_wait3A_91] : memref<2x512xi32, #tpu.memory_space<vmem>> -> memref<1x512xi32, #tpu.memory_space<vmem>>
    %dma_wait3A_93 = tpu.memref_squeeze %dma_wait3A_92 : memref<1x512xi32, #tpu.memory_space<vmem>> -> memref<512xi32, #tpu.memory_space<vmem>>
    %dma_wait3A_94 = tpu.memref_slice %arg2[%add3A_89] : memref<3276800xi32, #tpu.memory_space<hbm>> -> memref<512xi32, #tpu.memory_space<hbm>>
    %dma_wait3A_95 = tpu.memref_slice %arg8[%dma_wait3A_90] : memref<2x!tpu.dma_semaphore, #tpu.memory_space<semaphore_mem>> -> memref<1x!tpu.dma_semaphore, #tpu.memory_space<semaphore_mem>>
    %dma_wait3A_96 = tpu.memref_squeeze %dma_wait3A_95 : memref<1x!tpu.dma_semaphore, #tpu.memory_space<semaphore_mem>> -> memref<!tpu.dma_semaphore, #tpu.memory_space<semaphore_mem>>
    %dma_wait3A_97 = arith.constant 0 : i32
    %dma_wait3A_98 = tpu.memref_slice %arg5[%dma_wait3A, %dma_wait3A_97] : memref<2x512xi32, #tpu.memory_space<vmem>> -> memref<1x512xi32, #tpu.memory_space<vmem>>
    %dma_wait3A_99 = tpu.memref_squeeze %dma_wait3A_98 : memref<1x512xi32, #tpu.memory_space<vmem>> -> memref<512xi32, #tpu.memory_space<vmem>>
    %dma_wait3A_100 = tpu.memref_slice %arg2[%add3A_89] : memref<3276800xi32, #tpu.memory_space<hbm>> -> memref<512xi32, #tpu.memory_space<hbm>>
    tpu.wait_dma2 semaphore(%dma_wait3A_96 : memref<!tpu.dma_semaphore, #tpu.memory_space<semaphore_mem>>) src(%dma_wait3A_100 : memref<512xi32, #tpu.memory_space<hbm>>) dst(%dma_wait3A_99 : memref<512xi32, #tpu.memory_space<vmem>>)
    %dma_start3A_101 = arith.constant 0 : i32
    %dma_start3A_102 = arith.constant 0 : i32
    %dma_start3A_103 = arith.constant 0 : i32
    %dma_start3A_104 = arith.constant 0 : i32
    %dma_start3A_105 = arith.constant 0 : i32
    %dma_start3A_106 = tpu.memref_slice %arg6[%dma_start3A_102, %dma_start3A_104, %dma_start3A_105] : memref<2x512x32xf32, #tpu.memory_space<vmem>> -> memref<1x512x32xf32, #tpu.memory_space<vmem>>
    %dma_start3A_107 = tpu.memref_squeeze %dma_start3A_106 : memref<1x512x32xf32, #tpu.memory_space<vmem>> -> memref<512x32xf32, #tpu.memory_space<vmem>>
    %dma_start3A_108 = arith.constant 0 : i32
    %dma_start3A_109 = tpu.memref_slice %arg5[%dma_start3A_101, %dma_start3A_108] : memref<2x512xi32, #tpu.memory_space<vmem>> -> memref<1x512xi32, #tpu.memory_space<vmem>>
    %dma_start3A_110 = tpu.memref_squeeze %dma_start3A_109 : memref<1x512xi32, #tpu.memory_space<vmem>> -> memref<512xi32, #tpu.memory_space<vmem>>
    %dma_start3A_111 = arith.constant 0 : i32
    %dma_start3A_112 = arith.constant 0 : i32
    %dma_start3A_113 = tpu.memref_slice %arg3[%dma_start3A_111, %dma_start3A_112] : memref<1000000x32xf32, #tpu.memory_space<hbm>> -> memref<1000000x32xf32, #tpu.memory_space<hbm>>
    %dma_start3A_114 = tpu.memref_slice %arg9[%dma_start3A_103] : memref<2x!tpu.dma_semaphore, #tpu.memory_space<semaphore_mem>> -> memref<1x!tpu.dma_semaphore, #tpu.memory_space<semaphore_mem>>
    %dma_start3A_115 = tpu.memref_squeeze %dma_start3A_114 : memref<1x!tpu.dma_semaphore, #tpu.memory_space<semaphore_mem>> -> memref<!tpu.dma_semaphore, #tpu.memory_space<semaphore_mem>>
    tpu.enqueue_indirect_dma source(%dma_start3A_113 : memref<1000000x32xf32, #tpu.memory_space<hbm>>) target(%dma_start3A_107 : memref<512x32xf32, #tpu.memory_space<vmem>>) offsets(%dma_start3A_110 : memref<512xi32, #tpu.memory_space<vmem>>) semaphore(%dma_start3A_115 : memref<!tpu.dma_semaphore, #tpu.memory_space<semaphore_mem>>)
    %add3A_116 = arith.constant 16384 : i32
    %add3A_117 = arith.addi %add3A_116, %mul3A_2 : i32
    %dma_start3A_118 = arith.constant 1 : i32
    %dma_start3A_119 = arith.constant 1 : i32
    %dma_start3A_120 = arith.constant 0 : i32
    %dma_start3A_121 = tpu.memref_slice %arg5[%dma_start3A_118, %dma_start3A_120] : memref<2x512xi32, #tpu.memory_space<vmem>> -> memref<1x512xi32, #tpu.memory_space<vmem>>
    %dma_start3A_122 = tpu.memref_squeeze %dma_start3A_121 : memref<1x512xi32, #tpu.memory_space<vmem>> -> memref<512xi32, #tpu.memory_space<vmem>>
    %dma_start3A_123 = tpu.memref_slice %arg2[%add3A_117] : memref<3276800xi32, #tpu.memory_space<hbm>> -> memref<512xi32, #tpu.memory_space<hbm>>
    %dma_start3A_124 = tpu.memref_slice %arg8[%dma_start3A_119] : memref<2x!tpu.dma_semaphore, #tpu.memory_space<semaphore_mem>> -> memref<1x!tpu.dma_semaphore, #tpu.memory_space<semaphore_mem>>
    %dma_start3A_125 = tpu.memref_squeeze %dma_start3A_124 : memref<1x!tpu.dma_semaphore, #tpu.memory_space<semaphore_mem>> -> memref<!tpu.dma_semaphore, #tpu.memory_space<semaphore_mem>>
    %dma_start3A_126 = arith.constant 0 : i32
    %dma_start3A_127 = tpu.memref_slice %arg5[%dma_start3A_118, %dma_start3A_126] : memref<2x512xi32, #tpu.memory_space<vmem>> -> memref<1x512xi32, #tpu.memory_space<vmem>>
    %dma_start3A_128 = tpu.memref_squeeze %dma_start3A_127 : memref<1x512xi32, #tpu.memory_space<vmem>> -> memref<512xi32, #tpu.memory_space<vmem>>
    %dma_start3A_129 = tpu.memref_slice %arg2[%add3A_117] : memref<3276800xi32, #tpu.memory_space<hbm>> -> memref<512xi32, #tpu.memory_space<hbm>>
    tpu.enqueue_dma source(%dma_start3A_129 : memref<512xi32, #tpu.memory_space<hbm>>) target(%dma_start3A_128 : memref<512xi32, #tpu.memory_space<vmem>>) target_semaphore(%dma_start3A_125 : memref<!tpu.dma_semaphore, #tpu.memory_space<semaphore_mem>>)
    %scan3A = arith.constant 0 : i32
    %scan3A_130 = arith.constant 0 : i32
    %scan3A_131 = arith.constant 100 : i32
    %scan3A_132 = arith.addi %scan3A_130, %scan3A_131 : i32
    %scan3A_133 = arith.constant 1 : i32
    %scan3A_134 = scf.for %scan3A_352 = %scan3A_130 to %scan3A_132 step %scan3A_133 iter_args(%scan3A_353 = %scan3A) -> (i32)  : i32 {
      %mul3A_354 = arith.constant 2 : i32
      %mul3A_355 = arith.muli %scan3A_352, %mul3A_354 : i32
      %add3A_356 = arith.constant 1 : i32
      %add3A_357 = arith.addi %mul3A_355, %add3A_356 : i32
      %mul3A_358 = arith.constant 16384 : i32
      %mul3A_359 = arith.muli %add3A_357, %mul3A_358 : i32
      %add3A_360 = arith.addi %mul3A_359, %mul3A_2 : i32
      %dma_wait3A_361 = arith.constant 1 : i32
      %dma_wait3A_362 = arith.constant 1 : i32
      %dma_wait3A_363 = arith.constant 0 : i32
      %dma_wait3A_364 = tpu.memref_slice %arg5[%dma_wait3A_361, %dma_wait3A_363] : memref<2x512xi32, #tpu.memory_space<vmem>> -> memref<1x512xi32, #tpu.memory_space<vmem>>
      %dma_wait3A_365 = tpu.memref_squeeze %dma_wait3A_364 : memref<1x512xi32, #tpu.memory_space<vmem>> -> memref<512xi32, #tpu.memory_space<vmem>>
      %dma_wait3A_366 = tpu.memref_slice %arg2[%add3A_360] : memref<3276800xi32, #tpu.memory_space<hbm>> -> memref<512xi32, #tpu.memory_space<hbm>>
      %dma_wait3A_367 = tpu.memref_slice %arg8[%dma_wait3A_362] : memref<2x!tpu.dma_semaphore, #tpu.memory_space<semaphore_mem>> -> memref<1x!tpu.dma_semaphore, #tpu.memory_space<semaphore_mem>>
      %dma_wait3A_368 = tpu.memref_squeeze %dma_wait3A_367 : memref<1x!tpu.dma_semaphore, #tpu.memory_space<semaphore_mem>> -> memref<!tpu.dma_semaphore, #tpu.memory_space<semaphore_mem>>
      %dma_wait3A_369 = arith.constant 0 : i32
      %dma_wait3A_370 = tpu.memref_slice %arg5[%dma_wait3A_361, %dma_wait3A_369] : memref<2x512xi32, #tpu.memory_space<vmem>> -> memref<1x512xi32, #tpu.memory_space<vmem>>
      %dma_wait3A_371 = tpu.memref_squeeze %dma_wait3A_370 : memref<1x512xi32, #tpu.memory_space<vmem>> -> memref<512xi32, #tpu.memory_space<vmem>>
      %dma_wait3A_372 = tpu.memref_slice %arg2[%add3A_360] : memref<3276800xi32, #tpu.memory_space<hbm>> -> memref<512xi32, #tpu.memory_space<hbm>>
      tpu.wait_dma2 semaphore(%dma_wait3A_368 : memref<!tpu.dma_semaphore, #tpu.memory_space<semaphore_mem>>) src(%dma_wait3A_372 : memref<512xi32, #tpu.memory_space<hbm>>) dst(%dma_wait3A_371 : memref<512xi32, #tpu.memory_space<vmem>>)
      %dma_start3A_373 = arith.constant 1 : i32
      %dma_start3A_374 = arith.constant 1 : i32
      %dma_start3A_375 = arith.constant 1 : i32
      %dma_start3A_376 = arith.constant 0 : i32
      %dma_start3A_377 = arith.constant 0 : i32
      %dma_start3A_378 = tpu.memref_slice %arg6[%dma_start3A_374, %dma_start3A_376, %dma_start3A_377] : memref<2x512x32xf32, #tpu.memory_space<vmem>> -> memref<1x512x32xf32, #tpu.memory_space<vmem>>
      %dma_start3A_379 = tpu.memref_squeeze %dma_start3A_378 : memref<1x512x32xf32, #tpu.memory_space<vmem>> -> memref<512x32xf32, #tpu.memory_space<vmem>>
      %dma_start3A_380 = arith.constant 0 : i32
      %dma_start3A_381 = tpu.memref_slice %arg5[%dma_start3A_373, %dma_start3A_380] : memref<2x512xi32, #tpu.memory_space<vmem>> -> memref<1x512xi32, #tpu.memory_space<vmem>>
      %dma_start3A_382 = tpu.memref_squeeze %dma_start3A_381 : memref<1x512xi32, #tpu.memory_space<vmem>> -> memref<512xi32, #tpu.memory_space<vmem>>
      %dma_start3A_383 = arith.constant 0 : i32
      %dma_start3A_384 = arith.constant 0 : i32
      %dma_start3A_385 = tpu.memref_slice %arg3[%dma_start3A_383, %dma_start3A_384] : memref<1000000x32xf32, #tpu.memory_space<hbm>> -> memref<1000000x32xf32, #tpu.memory_space<hbm>>
      %dma_start3A_386 = tpu.memref_slice %arg9[%dma_start3A_375] : memref<2x!tpu.dma_semaphore, #tpu.memory_space<semaphore_mem>> -> memref<1x!tpu.dma_semaphore, #tpu.memory_space<semaphore_mem>>
      %dma_start3A_387 = tpu.memref_squeeze %dma_start3A_386 : memref<1x!tpu.dma_semaphore, #tpu.memory_space<semaphore_mem>> -> memref<!tpu.dma_semaphore, #tpu.memory_space<semaphore_mem>>
      tpu.enqueue_indirect_dma source(%dma_start3A_385 : memref<1000000x32xf32, #tpu.memory_space<hbm>>) target(%dma_start3A_379 : memref<512x32xf32, #tpu.memory_space<vmem>>) offsets(%dma_start3A_382 : memref<512xi32, #tpu.memory_space<vmem>>) semaphore(%dma_start3A_387 : memref<!tpu.dma_semaphore, #tpu.memory_space<semaphore_mem>>)
      %dma_wait3A_388 = arith.constant 0 : i32
      %dma_wait3A_389 = arith.constant 0 : i32
      %dma_wait3A_390 = arith.constant 0 : i32
      %dma_wait3A_391 = arith.constant 0 : i32
      %dma_wait3A_392 = arith.constant 0 : i32
      %dma_wait3A_393 = tpu.memref_slice %arg6[%dma_wait3A_389, %dma_wait3A_391, %dma_wait3A_392] : memref<2x512x32xf32, #tpu.memory_space<vmem>> -> memref<1x512x32xf32, #tpu.memory_space<vmem>>
      %dma_wait3A_394 = tpu.memref_squeeze %dma_wait3A_393 : memref<1x512x32xf32, #tpu.memory_space<vmem>> -> memref<512x32xf32, #tpu.memory_space<vmem>>
      %dma_wait3A_395 = arith.constant 0 : i32
      %dma_wait3A_396 = tpu.memref_slice %arg5[%dma_wait3A_388, %dma_wait3A_395] : memref<2x512xi32, #tpu.memory_space<vmem>> -> memref<1x512xi32, #tpu.memory_space<vmem>>
      %dma_wait3A_397 = tpu.memref_squeeze %dma_wait3A_396 : memref<1x512xi32, #tpu.memory_space<vmem>> -> memref<512xi32, #tpu.memory_space<vmem>>
      %dma_wait3A_398 = arith.constant 0 : i32
      %dma_wait3A_399 = arith.constant 0 : i32
      %dma_wait3A_400 = tpu.memref_slice %arg3[%dma_wait3A_398, %dma_wait3A_399] : memref<1000000x32xf32, #tpu.memory_space<hbm>> -> memref<1000000x32xf32, #tpu.memory_space<hbm>>
      %dma_wait3A_401 = tpu.memref_slice %arg9[%dma_wait3A_390] : memref<2x!tpu.dma_semaphore, #tpu.memory_space<semaphore_mem>> -> memref<1x!tpu.dma_semaphore, #tpu.memory_space<semaphore_mem>>
      %dma_wait3A_402 = tpu.memref_squeeze %dma_wait3A_401 : memref<1x!tpu.dma_semaphore, #tpu.memory_space<semaphore_mem>> -> memref<!tpu.dma_semaphore, #tpu.memory_space<semaphore_mem>>
      tpu.wait_indirect_dma semaphore(%dma_wait3A_402 : memref<!tpu.dma_semaphore, #tpu.memory_space<semaphore_mem>>) src(%dma_wait3A_400 : memref<1000000x32xf32, #tpu.memory_space<hbm>>) dst(%dma_wait3A_394 : memref<512x32xf32, #tpu.memory_space<vmem>>)
      %le3A = arith.constant 98 : i32
      %le3A_403 = arith.cmpi sle, %scan3A_352, %le3A : i32
      %convert_element_type3A = arith.extui %le3A_403 : i1 to i32
      %cond3A = arith.constant 0 : i32
      %cond3A_404 = arith.cmpi ne, %convert_element_type3A, %cond3A : i32
      scf.if %cond3A_404 {
        %add3A_645 = arith.constant 2 : i32
        %add3A_646 = arith.addi %mul3A_355, %add3A_645 : i32
        %mul3A_647 = arith.constant 16384 : i32
        %mul3A_648 = arith.muli %add3A_646, %mul3A_647 : i32
        %add3A_649 = arith.addi %mul3A_648, %mul3A_2 : i32
        %dma_start3A_650 = arith.constant 0 : i32
        %dma_start3A_651 = arith.constant 0 : i32
        %dma_start3A_652 = arith.constant 0 : i32
        %dma_start3A_653 = tpu.memref_slice %arg5[%dma_start3A_650, %dma_start3A_652] : memref<2x512xi32, #tpu.memory_space<vmem>> -> memref<1x512xi32, #tpu.memory_space<vmem>>
        %dma_start3A_654 = tpu.memref_squeeze %dma_start3A_653 : memref<1x512xi32, #tpu.memory_space<vmem>> -> memref<512xi32, #tpu.memory_space<vmem>>
        %dma_start3A_655 = tpu.memref_slice %arg2[%add3A_649] : memref<3276800xi32, #tpu.memory_space<hbm>> -> memref<512xi32, #tpu.memory_space<hbm>>
        %dma_start3A_656 = tpu.memref_slice %arg8[%dma_start3A_651] : memref<2x!tpu.dma_semaphore, #tpu.memory_space<semaphore_mem>> -> memref<1x!tpu.dma_semaphore, #tpu.memory_space<semaphore_mem>>
        %dma_start3A_657 = tpu.memref_squeeze %dma_start3A_656 : memref<1x!tpu.dma_semaphore, #tpu.memory_space<semaphore_mem>> -> memref<!tpu.dma_semaphore, #tpu.memory_space<semaphore_mem>>
        %dma_start3A_658 = arith.constant 0 : i32
        %dma_start3A_659 = tpu.memref_slice %arg5[%dma_start3A_650, %dma_start3A_658] : memref<2x512xi32, #tpu.memory_space<vmem>> -> memref<1x512xi32, #tpu.memory_space<vmem>>
        %dma_start3A_660 = tpu.memref_squeeze %dma_start3A_659 : memref<1x512xi32, #tpu.memory_space<vmem>> -> memref<512xi32, #tpu.memory_space<vmem>>
        %dma_start3A_661 = tpu.memref_slice %arg2[%add3A_649] : memref<3276800xi32, #tpu.memory_space<hbm>> -> memref<512xi32, #tpu.memory_space<hbm>>
        tpu.enqueue_dma source(%dma_start3A_661 : memref<512xi32, #tpu.memory_space<hbm>>) target(%dma_start3A_660 : memref<512xi32, #tpu.memory_space<vmem>>) target_semaphore(%dma_start3A_657 : memref<!tpu.dma_semaphore, #tpu.memory_space<semaphore_mem>>)
      } else {
      }
      %ge3A = arith.constant 1 : i32
      %ge3A_405 = arith.cmpi sge, %scan3A_352, %ge3A : i32
      %convert_element_type3A_406 = arith.extui %ge3A_405 : i1 to i32
      %cond3A_407 = arith.constant 0 : i32
      %cond3A_408 = arith.cmpi ne, %convert_element_type3A_406, %cond3A_407 : i32
      scf.if %cond3A_408 {
        %sub3A_645 = arith.constant 2 : i32
        %sub3A_646 = arith.subi %mul3A_355, %sub3A_645 : i32
        %mul3A_647 = arith.constant 4 : i32
        %mul3A_648 = arith.muli %mul3A_647, %add3A : i32
        %mul3A_649 = arith.constant 4 : i32
        %mul3A_650 = arith.muli %mul3A_649, %add3A : i32
        %mul3A_651 = arith.constant 4 : i32
        %mul3A_652 = arith.muli %mul3A_651, %add3A : i32
        %mul3A_653 = arith.constant 4 : i32
        %mul3A_654 = arith.muli %mul3A_653, %add3A : i32
        %dma_wait3A_655 = arith.constant 0 : i32
        %dma_wait3A_656 = arith.constant 0 : i32
        %dma_wait3A_657 = arith.constant 0 : i32
        %dma_wait3A_658 = arith.constant 0 : i32
        %dma_wait3A_659 = arith.constant 0 : i32
        %dma_wait3A_660 = arith.constant 0 : i32
        %dma_wait3A_661 = arith.constant 0 : i32
        %dma_wait3A_662 = tpu.memref_slice %arg7[%dma_wait3A_655, %dma_wait3A_659, %dma_wait3A_656, %dma_wait3A_660, %dma_wait3A_661] : memref<2x4x4x8x129xf32, #tpu.memory_space<vmem>> -> memref<1x4x1x8x128xf32, #tpu.memory_space<vmem>>
        %dma_wait3A_663 = tpu.memref_squeeze %dma_wait3A_662 : memref<1x4x1x8x128xf32, #tpu.memory_space<vmem>> -> memref<4x8x128xf32, #tpu.memory_space<vmem>>
        %dma_wait3A_664 = arith.constant 0 : i32
        %dma_wait3A_665 = arith.constant 0 : i32
        %dma_wait3A_666 = tpu.memref_slice %arg4[%sub3A_646, %dma_wait3A_657, %mul3A_648, %dma_wait3A_664, %dma_wait3A_665] : memref<200x4x128x8x128xf32, #tpu.memory_space<hbm>> -> memref<1x1x4x8x128xf32, #tpu.memory_space<hbm>>
        %dma_wait3A_667 = tpu.memref_squeeze %dma_wait3A_666 : memref<1x1x4x8x128xf32, #tpu.memory_space<hbm>> -> memref<4x8x128xf32, #tpu.memory_space<hbm>>
        %dma_wait3A_668 = tpu.memref_slice %arg10[%dma_wait3A_658] : memref<2x!tpu.dma_semaphore, #tpu.memory_space<semaphore_mem>> -> memref<1x!tpu.dma_semaphore, #tpu.memory_space<semaphore_mem>>
        %dma_wait3A_669 = tpu.memref_squeeze %dma_wait3A_668 : memref<1x!tpu.dma_semaphore, #tpu.memory_space<semaphore_mem>> -> memref<!tpu.dma_semaphore, #tpu.memory_space<semaphore_mem>>
        %dma_wait3A_670 = arith.constant 0 : i32
        %dma_wait3A_671 = arith.constant 0 : i32
        %dma_wait3A_672 = tpu.memref_slice %arg4[%sub3A_646, %dma_wait3A_657, %mul3A_648, %dma_wait3A_670, %dma_wait3A_671] : memref<200x4x128x8x128xf32, #tpu.memory_space<hbm>> -> memref<1x1x4x8x128xf32, #tpu.memory_space<hbm>>
        %dma_wait3A_673 = tpu.memref_squeeze %dma_wait3A_672 : memref<1x1x4x8x128xf32, #tpu.memory_space<hbm>> -> memref<4x8x128xf32, #tpu.memory_space<hbm>>
        %dma_wait3A_674 = arith.constant 0 : i32
        %dma_wait3A_675 = arith.constant 0 : i32
        %dma_wait3A_676 = arith.constant 0 : i32
        %dma_wait3A_677 = tpu.memref_slice %arg7[%dma_wait3A_655, %dma_wait3A_674, %dma_wait3A_656, %dma_wait3A_675, %dma_wait3A_676] : memref<2x4x4x8x129xf32, #tpu.memory_space<vmem>> -> memref<1x4x1x8x128xf32, #tpu.memory_space<vmem>>
        %dma_wait3A_678 = tpu.memref_squeeze %dma_wait3A_677 : memref<1x4x1x8x128xf32, #tpu.memory_space<vmem>> -> memref<4x8x128xf32, #tpu.memory_space<vmem>>
        tpu.wait_dma2 semaphore(%dma_wait3A_669 : memref<!tpu.dma_semaphore, #tpu.memory_space<semaphore_mem>>) src(%dma_wait3A_678 : memref<4x8x128xf32, #tpu.memory_space<vmem>>) dst(%dma_wait3A_673 : memref<4x8x128xf32, #tpu.memory_space<hbm>>)
        %dma_wait3A_679 = arith.constant 0 : i32
        %dma_wait3A_680 = arith.constant 1 : i32
        %dma_wait3A_681 = arith.constant 1 : i32
        %dma_wait3A_682 = arith.constant 0 : i32
        %dma_wait3A_683 = arith.constant 0 : i32
        %dma_wait3A_684 = arith.constant 0 : i32
        %dma_wait3A_685 = arith.constant 0 : i32
        %dma_wait3A_686 = tpu.memref_slice %arg7[%dma_wait3A_679, %dma_wait3A_683, %dma_wait3A_680, %dma_wait3A_684, %dma_wait3A_685] : memref<2x4x4x8x129xf32, #tpu.memory_space<vmem>> -> memref<1x4x1x8x128xf32, #tpu.memory_space<vmem>>
        %dma_wait3A_687 = tpu.memref_squeeze %dma_wait3A_686 : memref<1x4x1x8x128xf32, #tpu.memory_space<vmem>> -> memref<4x8x128xf32, #tpu.memory_space<vmem>>
        %dma_wait3A_688 = arith.constant 0 : i32
        %dma_wait3A_689 = arith.constant 0 : i32
        %dma_wait3A_690 = tpu.memref_slice %arg4[%sub3A_646, %dma_wait3A_681, %mul3A_650, %dma_wait3A_688, %dma_wait3A_689] : memref<200x4x128x8x128xf32, #tpu.memory_space<hbm>> -> memref<1x1x4x8x128xf32, #tpu.memory_space<hbm>>
        %dma_wait3A_691 = tpu.memref_squeeze %dma_wait3A_690 : memref<1x1x4x8x128xf32, #tpu.memory_space<hbm>> -> memref<4x8x128xf32, #tpu.memory_space<hbm>>
        %dma_wait3A_692 = tpu.memref_slice %arg10[%dma_wait3A_682] : memref<2x!tpu.dma_semaphore, #tpu.memory_space<semaphore_mem>> -> memref<1x!tpu.dma_semaphore, #tpu.memory_space<semaphore_mem>>
        %dma_wait3A_693 = tpu.memref_squeeze %dma_wait3A_692 : memref<1x!tpu.dma_semaphore, #tpu.memory_space<semaphore_mem>> -> memref<!tpu.dma_semaphore, #tpu.memory_space<semaphore_mem>>
        %dma_wait3A_694 = arith.constant 0 : i32
        %dma_wait3A_695 = arith.constant 0 : i32
        %dma_wait3A_696 = tpu.memref_slice %arg4[%sub3A_646, %dma_wait3A_681, %mul3A_650, %dma_wait3A_694, %dma_wait3A_695] : memref<200x4x128x8x128xf32, #tpu.memory_space<hbm>> -> memref<1x1x4x8x128xf32, #tpu.memory_space<hbm>>
        %dma_wait3A_697 = tpu.memref_squeeze %dma_wait3A_696 : memref<1x1x4x8x128xf32, #tpu.memory_space<hbm>> -> memref<4x8x128xf32, #tpu.memory_space<hbm>>
        %dma_wait3A_698 = arith.constant 0 : i32
        %dma_wait3A_699 = arith.constant 0 : i32
        %dma_wait3A_700 = arith.constant 0 : i32
        %dma_wait3A_701 = tpu.memref_slice %arg7[%dma_wait3A_679, %dma_wait3A_698, %dma_wait3A_680, %dma_wait3A_699, %dma_wait3A_700] : memref<2x4x4x8x129xf32, #tpu.memory_space<vmem>> -> memref<1x4x1x8x128xf32, #tpu.memory_space<vmem>>
        %dma_wait3A_702 = tpu.memref_squeeze %dma_wait3A_701 : memref<1x4x1x8x128xf32, #tpu.memory_space<vmem>> -> memref<4x8x128xf32, #tpu.memory_space<vmem>>
        tpu.wait_dma2 semaphore(%dma_wait3A_693 : memref<!tpu.dma_semaphore, #tpu.memory_space<semaphore_mem>>) src(%dma_wait3A_702 : memref<4x8x128xf32, #tpu.memory_space<vmem>>) dst(%dma_wait3A_697 : memref<4x8x128xf32, #tpu.memory_space<hbm>>)
        %dma_wait3A_703 = arith.constant 0 : i32
        %dma_wait3A_704 = arith.constant 2 : i32
        %dma_wait3A_705 = arith.constant 2 : i32
        %dma_wait3A_706 = arith.constant 0 : i32
        %dma_wait3A_707 = arith.constant 0 : i32
        %dma_wait3A_708 = arith.constant 0 : i32
        %dma_wait3A_709 = arith.constant 0 : i32
        %dma_wait3A_710 = tpu.memref_slice %arg7[%dma_wait3A_703, %dma_wait3A_707, %dma_wait3A_704, %dma_wait3A_708, %dma_wait3A_709] : memref<2x4x4x8x129xf32, #tpu.memory_space<vmem>> -> memref<1x4x1x8x128xf32, #tpu.memory_space<vmem>>
        %dma_wait3A_711 = tpu.memref_squeeze %dma_wait3A_710 : memref<1x4x1x8x128xf32, #tpu.memory_space<vmem>> -> memref<4x8x128xf32, #tpu.memory_space<vmem>>
        %dma_wait3A_712 = arith.constant 0 : i32
        %dma_wait3A_713 = arith.constant 0 : i32
        %dma_wait3A_714 = tpu.memref_slice %arg4[%sub3A_646, %dma_wait3A_705, %mul3A_652, %dma_wait3A_712, %dma_wait3A_713] : memref<200x4x128x8x128xf32, #tpu.memory_space<hbm>> -> memref<1x1x4x8x128xf32, #tpu.memory_space<hbm>>
        %dma_wait3A_715 = tpu.memref_squeeze %dma_wait3A_714 : memref<1x1x4x8x128xf32, #tpu.memory_space<hbm>> -> memref<4x8x128xf32, #tpu.memory_space<hbm>>
        %dma_wait3A_716 = tpu.memref_slice %arg10[%dma_wait3A_706] : memref<2x!tpu.dma_semaphore, #tpu.memory_space<semaphore_mem>> -> memref<1x!tpu.dma_semaphore, #tpu.memory_space<semaphore_mem>>
        %dma_wait3A_717 = tpu.memref_squeeze %dma_wait3A_716 : memref<1x!tpu.dma_semaphore, #tpu.memory_space<semaphore_mem>> -> memref<!tpu.dma_semaphore, #tpu.memory_space<semaphore_mem>>
        %dma_wait3A_718 = arith.constant 0 : i32
        %dma_wait3A_719 = arith.constant 0 : i32
        %dma_wait3A_720 = tpu.memref_slice %arg4[%sub3A_646, %dma_wait3A_705, %mul3A_652, %dma_wait3A_718, %dma_wait3A_719] : memref<200x4x128x8x128xf32, #tpu.memory_space<hbm>> -> memref<1x1x4x8x128xf32, #tpu.memory_space<hbm>>
        %dma_wait3A_721 = tpu.memref_squeeze %dma_wait3A_720 : memref<1x1x4x8x128xf32, #tpu.memory_space<hbm>> -> memref<4x8x128xf32, #tpu.memory_space<hbm>>
        %dma_wait3A_722 = arith.constant 0 : i32
        %dma_wait3A_723 = arith.constant 0 : i32
        %dma_wait3A_724 = arith.constant 0 : i32
        %dma_wait3A_725 = tpu.memref_slice %arg7[%dma_wait3A_703, %dma_wait3A_722, %dma_wait3A_704, %dma_wait3A_723, %dma_wait3A_724] : memref<2x4x4x8x129xf32, #tpu.memory_space<vmem>> -> memref<1x4x1x8x128xf32, #tpu.memory_space<vmem>>
        %dma_wait3A_726 = tpu.memref_squeeze %dma_wait3A_725 : memref<1x4x1x8x128xf32, #tpu.memory_space<vmem>> -> memref<4x8x128xf32, #tpu.memory_space<vmem>>
        tpu.wait_dma2 semaphore(%dma_wait3A_717 : memref<!tpu.dma_semaphore, #tpu.memory_space<semaphore_mem>>) src(%dma_wait3A_726 : memref<4x8x128xf32, #tpu.memory_space<vmem>>) dst(%dma_wait3A_721 : memref<4x8x128xf32, #tpu.memory_space<hbm>>)
        %dma_wait3A_727 = arith.constant 0 : i32
        %dma_wait3A_728 = arith.constant 3 : i32
        %dma_wait3A_729 = arith.constant 3 : i32
        %dma_wait3A_730 = arith.constant 0 : i32
        %dma_wait3A_731 = arith.constant 0 : i32
        %dma_wait3A_732 = arith.constant 0 : i32
        %dma_wait3A_733 = arith.constant 0 : i32
        %dma_wait3A_734 = tpu.memref_slice %arg7[%dma_wait3A_727, %dma_wait3A_731, %dma_wait3A_728, %dma_wait3A_732, %dma_wait3A_733] : memref<2x4x4x8x129xf32, #tpu.memory_space<vmem>> -> memref<1x4x1x8x128xf32, #tpu.memory_space<vmem>>
        %dma_wait3A_735 = tpu.memref_squeeze %dma_wait3A_734 : memref<1x4x1x8x128xf32, #tpu.memory_space<vmem>> -> memref<4x8x128xf32, #tpu.memory_space<vmem>>
        %dma_wait3A_736 = arith.constant 0 : i32
        %dma_wait3A_737 = arith.constant 0 : i32
        %dma_wait3A_738 = tpu.memref_slice %arg4[%sub3A_646, %dma_wait3A_729, %mul3A_654, %dma_wait3A_736, %dma_wait3A_737] : memref<200x4x128x8x128xf32, #tpu.memory_space<hbm>> -> memref<1x1x4x8x128xf32, #tpu.memory_space<hbm>>
        %dma_wait3A_739 = tpu.memref_squeeze %dma_wait3A_738 : memref<1x1x4x8x128xf32, #tpu.memory_space<hbm>> -> memref<4x8x128xf32, #tpu.memory_space<hbm>>
        %dma_wait3A_740 = tpu.memref_slice %arg10[%dma_wait3A_730] : memref<2x!tpu.dma_semaphore, #tpu.memory_space<semaphore_mem>> -> memref<1x!tpu.dma_semaphore, #tpu.memory_space<semaphore_mem>>
        %dma_wait3A_741 = tpu.memref_squeeze %dma_wait3A_740 : memref<1x!tpu.dma_semaphore, #tpu.memory_space<semaphore_mem>> -> memref<!tpu.dma_semaphore, #tpu.memory_space<semaphore_mem>>
        %dma_wait3A_742 = arith.constant 0 : i32
        %dma_wait3A_743 = arith.constant 0 : i32
        %dma_wait3A_744 = tpu.memref_slice %arg4[%sub3A_646, %dma_wait3A_729, %mul3A_654, %dma_wait3A_742, %dma_wait3A_743] : memref<200x4x128x8x128xf32, #tpu.memory_space<hbm>> -> memref<1x1x4x8x128xf32, #tpu.memory_space<hbm>>
        %dma_wait3A_745 = tpu.memref_squeeze %dma_wait3A_744 : memref<1x1x4x8x128xf32, #tpu.memory_space<hbm>> -> memref<4x8x128xf32, #tpu.memory_space<hbm>>
        %dma_wait3A_746 = arith.constant 0 : i32
        %dma_wait3A_747 = arith.constant 0 : i32
        %dma_wait3A_748 = arith.constant 0 : i32
        %dma_wait3A_749 = tpu.memref_slice %arg7[%dma_wait3A_727, %dma_wait3A_746, %dma_wait3A_728, %dma_wait3A_747, %dma_wait3A_748] : memref<2x4x4x8x129xf32, #tpu.memory_space<vmem>> -> memref<1x4x1x8x128xf32, #tpu.memory_space<vmem>>
        %dma_wait3A_750 = tpu.memref_squeeze %dma_wait3A_749 : memref<1x4x1x8x128xf32, #tpu.memory_space<vmem>> -> memref<4x8x128xf32, #tpu.memory_space<vmem>>
        tpu.wait_dma2 semaphore(%dma_wait3A_741 : memref<!tpu.dma_semaphore, #tpu.memory_space<semaphore_mem>>) src(%dma_wait3A_750 : memref<4x8x128xf32, #tpu.memory_space<vmem>>) dst(%dma_wait3A_745 : memref<4x8x128xf32, #tpu.memory_space<hbm>>)
      } else {
      }
      %mul3A_409 = arith.constant 4 : i32
      %mul3A_410 = arith.muli %mul3A_409, %add3A : i32
      %mul3A_411 = arith.constant 4 : i32
      %mul3A_412 = arith.muli %mul3A_411, %add3A : i32
      %mul3A_413 = arith.constant 4 : i32
      %mul3A_414 = arith.muli %mul3A_413, %add3A : i32
      %mul3A_415 = arith.constant 4 : i32
      %mul3A_416 = arith.muli %mul3A_415, %add3A : i32
      %dma_start3A_417 = arith.constant 0 : i32
      %dma_start3A_418 = arith.constant 0 : i32
      %dma_start3A_419 = arith.constant 0 : i32
      %dma_start3A_420 = arith.constant 0 : i32
      %dma_start3A_421 = arith.constant 0 : i32
      %dma_start3A_422 = arith.constant 0 : i32
      %dma_start3A_423 = arith.constant 0 : i32
      %dma_start3A_424 = tpu.memref_slice %arg7[%dma_start3A_417, %dma_start3A_421, %dma_start3A_418, %dma_start3A_422, %dma_start3A_423] : memref<2x4x4x8x129xf32, #tpu.memory_space<vmem>> -> memref<1x4x1x8x128xf32, #tpu.memory_space<vmem>>
      %dma_start3A_425 = tpu.memref_squeeze %dma_start3A_424 : memref<1x4x1x8x128xf32, #tpu.memory_space<vmem>> -> memref<4x8x128xf32, #tpu.memory_space<vmem>>
      %dma_start3A_426 = arith.constant 0 : i32
      %dma_start3A_427 = arith.constant 0 : i32
      %dma_start3A_428 = tpu.memref_slice %arg4[%mul3A_355, %dma_start3A_419, %mul3A_410, %dma_start3A_426, %dma_start3A_427] : memref<200x4x128x8x128xf32, #tpu.memory_space<hbm>> -> memref<1x1x4x8x128xf32, #tpu.memory_space<hbm>>
      %dma_start3A_429 = tpu.memref_squeeze %dma_start3A_428 : memref<1x1x4x8x128xf32, #tpu.memory_space<hbm>> -> memref<4x8x128xf32, #tpu.memory_space<hbm>>
      %dma_start3A_430 = tpu.memref_slice %arg10[%dma_start3A_420] : memref<2x!tpu.dma_semaphore, #tpu.memory_space<semaphore_mem>> -> memref<1x!tpu.dma_semaphore, #tpu.memory_space<semaphore_mem>>
      %dma_start3A_431 = tpu.memref_squeeze %dma_start3A_430 : memref<1x!tpu.dma_semaphore, #tpu.memory_space<semaphore_mem>> -> memref<!tpu.dma_semaphore, #tpu.memory_space<semaphore_mem>>
      %dma_start3A_432 = arith.constant 0 : i32
      %dma_start3A_433 = arith.constant 0 : i32
      %dma_start3A_434 = tpu.memref_slice %arg4[%mul3A_355, %dma_start3A_419, %mul3A_410, %dma_start3A_432, %dma_start3A_433] : memref<200x4x128x8x128xf32, #tpu.memory_space<hbm>> -> memref<1x1x4x8x128xf32, #tpu.memory_space<hbm>>
      %dma_start3A_435 = tpu.memref_squeeze %dma_start3A_434 : memref<1x1x4x8x128xf32, #tpu.memory_space<hbm>> -> memref<4x8x128xf32, #tpu.memory_space<hbm>>
      %dma_start3A_436 = arith.constant 0 : i32
      %dma_start3A_437 = arith.constant 0 : i32
      %dma_start3A_438 = arith.constant 0 : i32
      %dma_start3A_439 = tpu.memref_slice %arg7[%dma_start3A_417, %dma_start3A_436, %dma_start3A_418, %dma_start3A_437, %dma_start3A_438] : memref<2x4x4x8x129xf32, #tpu.memory_space<vmem>> -> memref<1x4x1x8x128xf32, #tpu.memory_space<vmem>>
      %dma_start3A_440 = tpu.memref_squeeze %dma_start3A_439 : memref<1x4x1x8x128xf32, #tpu.memory_space<vmem>> -> memref<4x8x128xf32, #tpu.memory_space<vmem>>
      tpu.enqueue_dma source(%dma_start3A_440 : memref<4x8x128xf32, #tpu.memory_space<vmem>>) target(%dma_start3A_435 : memref<4x8x128xf32, #tpu.memory_space<hbm>>) target_semaphore(%dma_start3A_431 : memref<!tpu.dma_semaphore, #tpu.memory_space<semaphore_mem>>)
      %dma_start3A_441 = arith.constant 0 : i32
      %dma_start3A_442 = arith.constant 1 : i32
      %dma_start3A_443 = arith.constant 1 : i32
      %dma_start3A_444 = arith.constant 0 : i32
      %dma_start3A_445 = arith.constant 0 : i32
      %dma_start3A_446 = arith.constant 0 : i32
      %dma_start3A_447 = arith.constant 0 : i32
      %dma_start3A_448 = tpu.memref_slice %arg7[%dma_start3A_441, %dma_start3A_445, %dma_start3A_442, %dma_start3A_446, %dma_start3A_447] : memref<2x4x4x8x129xf32, #tpu.memory_space<vmem>> -> memref<1x4x1x8x128xf32, #tpu.memory_space<vmem>>
      %dma_start3A_449 = tpu.memref_squeeze %dma_start3A_448 : memref<1x4x1x8x128xf32, #tpu.memory_space<vmem>> -> memref<4x8x128xf32, #tpu.memory_space<vmem>>
      %dma_start3A_450 = arith.constant 0 : i32
      %dma_start3A_451 = arith.constant 0 : i32
      %dma_start3A_452 = tpu.memref_slice %arg4[%mul3A_355, %dma_start3A_443, %mul3A_412, %dma_start3A_450, %dma_start3A_451] : memref<200x4x128x8x128xf32, #tpu.memory_space<hbm>> -> memref<1x1x4x8x128xf32, #tpu.memory_space<hbm>>
      %dma_start3A_453 = tpu.memref_squeeze %dma_start3A_452 : memref<1x1x4x8x128xf32, #tpu.memory_space<hbm>> -> memref<4x8x128xf32, #tpu.memory_space<hbm>>
      %dma_start3A_454 = tpu.memref_slice %arg10[%dma_start3A_444] : memref<2x!tpu.dma_semaphore, #tpu.memory_space<semaphore_mem>> -> memref<1x!tpu.dma_semaphore, #tpu.memory_space<semaphore_mem>>
      %dma_start3A_455 = tpu.memref_squeeze %dma_start3A_454 : memref<1x!tpu.dma_semaphore, #tpu.memory_space<semaphore_mem>> -> memref<!tpu.dma_semaphore, #tpu.memory_space<semaphore_mem>>
      %dma_start3A_456 = arith.constant 0 : i32
      %dma_start3A_457 = arith.constant 0 : i32
      %dma_start3A_458 = tpu.memref_slice %arg4[%mul3A_355, %dma_start3A_443, %mul3A_412, %dma_start3A_456, %dma_start3A_457] : memref<200x4x128x8x128xf32, #tpu.memory_space<hbm>> -> memref<1x1x4x8x128xf32, #tpu.memory_space<hbm>>
      %dma_start3A_459 = tpu.memref_squeeze %dma_start3A_458 : memref<1x1x4x8x128xf32, #tpu.memory_space<hbm>> -> memref<4x8x128xf32, #tpu.memory_space<hbm>>
      %dma_start3A_460 = arith.constant 0 : i32
      %dma_start3A_461 = arith.constant 0 : i32
      %dma_start3A_462 = arith.constant 0 : i32
      %dma_start3A_463 = tpu.memref_slice %arg7[%dma_start3A_441, %dma_start3A_460, %dma_start3A_442, %dma_start3A_461, %dma_start3A_462] : memref<2x4x4x8x129xf32, #tpu.memory_space<vmem>> -> memref<1x4x1x8x128xf32, #tpu.memory_space<vmem>>
      %dma_start3A_464 = tpu.memref_squeeze %dma_start3A_463 : memref<1x4x1x8x128xf32, #tpu.memory_space<vmem>> -> memref<4x8x128xf32, #tpu.memory_space<vmem>>
      tpu.enqueue_dma source(%dma_start3A_464 : memref<4x8x128xf32, #tpu.memory_space<vmem>>) target(%dma_start3A_459 : memref<4x8x128xf32, #tpu.memory_space<hbm>>) target_semaphore(%dma_start3A_455 : memref<!tpu.dma_semaphore, #tpu.memory_space<semaphore_mem>>)
      %dma_start3A_465 = arith.constant 0 : i32
      %dma_start3A_466 = arith.constant 2 : i32
      %dma_start3A_467 = arith.constant 2 : i32
      %dma_start3A_468 = arith.constant 0 : i32
      %dma_start3A_469 = arith.constant 0 : i32
      %dma_start3A_470 = arith.constant 0 : i32
      %dma_start3A_471 = arith.constant 0 : i32
      %dma_start3A_472 = tpu.memref_slice %arg7[%dma_start3A_465, %dma_start3A_469, %dma_start3A_466, %dma_start3A_470, %dma_start3A_471] : memref<2x4x4x8x129xf32, #tpu.memory_space<vmem>> -> memref<1x4x1x8x128xf32, #tpu.memory_space<vmem>>
      %dma_start3A_473 = tpu.memref_squeeze %dma_start3A_472 : memref<1x4x1x8x128xf32, #tpu.memory_space<vmem>> -> memref<4x8x128xf32, #tpu.memory_space<vmem>>
      %dma_start3A_474 = arith.constant 0 : i32
      %dma_start3A_475 = arith.constant 0 : i32
      %dma_start3A_476 = tpu.memref_slice %arg4[%mul3A_355, %dma_start3A_467, %mul3A_414, %dma_start3A_474, %dma_start3A_475] : memref<200x4x128x8x128xf32, #tpu.memory_space<hbm>> -> memref<1x1x4x8x128xf32, #tpu.memory_space<hbm>>
      %dma_start3A_477 = tpu.memref_squeeze %dma_start3A_476 : memref<1x1x4x8x128xf32, #tpu.memory_space<hbm>> -> memref<4x8x128xf32, #tpu.memory_space<hbm>>
      %dma_start3A_478 = tpu.memref_slice %arg10[%dma_start3A_468] : memref<2x!tpu.dma_semaphore, #tpu.memory_space<semaphore_mem>> -> memref<1x!tpu.dma_semaphore, #tpu.memory_space<semaphore_mem>>
      %dma_start3A_479 = tpu.memref_squeeze %dma_start3A_478 : memref<1x!tpu.dma_semaphore, #tpu.memory_space<semaphore_mem>> -> memref<!tpu.dma_semaphore, #tpu.memory_space<semaphore_mem>>
      %dma_start3A_480 = arith.constant 0 : i32
      %dma_start3A_481 = arith.constant 0 : i32
      %dma_start3A_482 = tpu.memref_slice %arg4[%mul3A_355, %dma_start3A_467, %mul3A_414, %dma_start3A_480, %dma_start3A_481] : memref<200x4x128x8x128xf32, #tpu.memory_space<hbm>> -> memref<1x1x4x8x128xf32, #tpu.memory_space<hbm>>
      %dma_start3A_483 = tpu.memref_squeeze %dma_start3A_482 : memref<1x1x4x8x128xf32, #tpu.memory_space<hbm>> -> memref<4x8x128xf32, #tpu.memory_space<hbm>>
      %dma_start3A_484 = arith.constant 0 : i32
      %dma_start3A_485 = arith.constant 0 : i32
      %dma_start3A_486 = arith.constant 0 : i32
      %dma_start3A_487 = tpu.memref_slice %arg7[%dma_start3A_465, %dma_start3A_484, %dma_start3A_466, %dma_start3A_485, %dma_start3A_486] : memref<2x4x4x8x129xf32, #tpu.memory_space<vmem>> -> memref<1x4x1x8x128xf32, #tpu.memory_space<vmem>>
      %dma_start3A_488 = tpu.memref_squeeze %dma_start3A_487 : memref<1x4x1x8x128xf32, #tpu.memory_space<vmem>> -> memref<4x8x128xf32, #tpu.memory_space<vmem>>
      tpu.enqueue_dma source(%dma_start3A_488 : memref<4x8x128xf32, #tpu.memory_space<vmem>>) target(%dma_start3A_483 : memref<4x8x128xf32, #tpu.memory_space<hbm>>) target_semaphore(%dma_start3A_479 : memref<!tpu.dma_semaphore, #tpu.memory_space<semaphore_mem>>)
      %dma_start3A_489 = arith.constant 0 : i32
      %dma_start3A_490 = arith.constant 3 : i32
      %dma_start3A_491 = arith.constant 3 : i32
      %dma_start3A_492 = arith.constant 0 : i32
      %dma_start3A_493 = arith.constant 0 : i32
      %dma_start3A_494 = arith.constant 0 : i32
      %dma_start3A_495 = arith.constant 0 : i32
      %dma_start3A_496 = tpu.memref_slice %arg7[%dma_start3A_489, %dma_start3A_493, %dma_start3A_490, %dma_start3A_494, %dma_start3A_495] : memref<2x4x4x8x129xf32, #tpu.memory_space<vmem>> -> memref<1x4x1x8x128xf32, #tpu.memory_space<vmem>>
      %dma_start3A_497 = tpu.memref_squeeze %dma_start3A_496 : memref<1x4x1x8x128xf32, #tpu.memory_space<vmem>> -> memref<4x8x128xf32, #tpu.memory_space<vmem>>
      %dma_start3A_498 = arith.constant 0 : i32
      %dma_start3A_499 = arith.constant 0 : i32
      %dma_start3A_500 = tpu.memref_slice %arg4[%mul3A_355, %dma_start3A_491, %mul3A_416, %dma_start3A_498, %dma_start3A_499] : memref<200x4x128x8x128xf32, #tpu.memory_space<hbm>> -> memref<1x1x4x8x128xf32, #tpu.memory_space<hbm>>
      %dma_start3A_501 = tpu.memref_squeeze %dma_start3A_500 : memref<1x1x4x8x128xf32, #tpu.memory_space<hbm>> -> memref<4x8x128xf32, #tpu.memory_space<hbm>>
      %dma_start3A_502 = tpu.memref_slice %arg10[%dma_start3A_492] : memref<2x!tpu.dma_semaphore, #tpu.memory_space<semaphore_mem>> -> memref<1x!tpu.dma_semaphore, #tpu.memory_space<semaphore_mem>>
      %dma_start3A_503 = tpu.memref_squeeze %dma_start3A_502 : memref<1x!tpu.dma_semaphore, #tpu.memory_space<semaphore_mem>> -> memref<!tpu.dma_semaphore, #tpu.memory_space<semaphore_mem>>
      %dma_start3A_504 = arith.constant 0 : i32
      %dma_start3A_505 = arith.constant 0 : i32
      %dma_start3A_506 = tpu.memref_slice %arg4[%mul3A_355, %dma_start3A_491, %mul3A_416, %dma_start3A_504, %dma_start3A_505] : memref<200x4x128x8x128xf32, #tpu.memory_space<hbm>> -> memref<1x1x4x8x128xf32, #tpu.memory_space<hbm>>
      %dma_start3A_507 = tpu.memref_squeeze %dma_start3A_506 : memref<1x1x4x8x128xf32, #tpu.memory_space<hbm>> -> memref<4x8x128xf32, #tpu.memory_space<hbm>>
      %dma_start3A_508 = arith.constant 0 : i32
      %dma_start3A_509 = arith.constant 0 : i32
      %dma_start3A_510 = arith.constant 0 : i32
      %dma_start3A_511 = tpu.memref_slice %arg7[%dma_start3A_489, %dma_start3A_508, %dma_start3A_490, %dma_start3A_509, %dma_start3A_510] : memref<2x4x4x8x129xf32, #tpu.memory_space<vmem>> -> memref<1x4x1x8x128xf32, #tpu.memory_space<vmem>>
      %dma_start3A_512 = tpu.memref_squeeze %dma_start3A_511 : memref<1x4x1x8x128xf32, #tpu.memory_space<vmem>> -> memref<4x8x128xf32, #tpu.memory_space<vmem>>
      tpu.enqueue_dma source(%dma_start3A_512 : memref<4x8x128xf32, #tpu.memory_space<vmem>>) target(%dma_start3A_507 : memref<4x8x128xf32, #tpu.memory_space<hbm>>) target_semaphore(%dma_start3A_503 : memref<!tpu.dma_semaphore, #tpu.memory_space<semaphore_mem>>)
      %dma_wait3A_513 = arith.constant 1 : i32
      %dma_wait3A_514 = arith.constant 1 : i32
      %dma_wait3A_515 = arith.constant 1 : i32
      %dma_wait3A_516 = arith.constant 0 : i32
      %dma_wait3A_517 = arith.constant 0 : i32
      %dma_wait3A_518 = tpu.memref_slice %arg6[%dma_wait3A_514, %dma_wait3A_516, %dma_wait3A_517] : memref<2x512x32xf32, #tpu.memory_space<vmem>> -> memref<1x512x32xf32, #tpu.memory_space<vmem>>
      %dma_wait3A_519 = tpu.memref_squeeze %dma_wait3A_518 : memref<1x512x32xf32, #tpu.memory_space<vmem>> -> memref<512x32xf32, #tpu.memory_space<vmem>>
      %dma_wait3A_520 = arith.constant 0 : i32
      %dma_wait3A_521 = tpu.memref_slice %arg5[%dma_wait3A_513, %dma_wait3A_520] : memref<2x512xi32, #tpu.memory_space<vmem>> -> memref<1x512xi32, #tpu.memory_space<vmem>>
      %dma_wait3A_522 = tpu.memref_squeeze %dma_wait3A_521 : memref<1x512xi32, #tpu.memory_space<vmem>> -> memref<512xi32, #tpu.memory_space<vmem>>
      %dma_wait3A_523 = arith.constant 0 : i32
      %dma_wait3A_524 = arith.constant 0 : i32
      %dma_wait3A_525 = tpu.memref_slice %arg3[%dma_wait3A_523, %dma_wait3A_524] : memref<1000000x32xf32, #tpu.memory_space<hbm>> -> memref<1000000x32xf32, #tpu.memory_space<hbm>>
      %dma_wait3A_526 = tpu.memref_slice %arg9[%dma_wait3A_515] : memref<2x!tpu.dma_semaphore, #tpu.memory_space<semaphore_mem>> -> memref<1x!tpu.dma_semaphore, #tpu.memory_space<semaphore_mem>>
      %dma_wait3A_527 = tpu.memref_squeeze %dma_wait3A_526 : memref<1x!tpu.dma_semaphore, #tpu.memory_space<semaphore_mem>> -> memref<!tpu.dma_semaphore, #tpu.memory_space<semaphore_mem>>
      tpu.wait_indirect_dma semaphore(%dma_wait3A_527 : memref<!tpu.dma_semaphore, #tpu.memory_space<semaphore_mem>>) src(%dma_wait3A_525 : memref<1000000x32xf32, #tpu.memory_space<hbm>>) dst(%dma_wait3A_519 : memref<512x32xf32, #tpu.memory_space<vmem>>)
      %le3A_528 = arith.constant 98 : i32
      %le3A_529 = arith.cmpi sle, %scan3A_352, %le3A_528 : i32
      %convert_element_type3A_530 = arith.extui %le3A_529 : i1 to i32
      %cond3A_531 = arith.constant 0 : i32
      %cond3A_532 = arith.cmpi ne, %convert_element_type3A_530, %cond3A_531 : i32
      scf.if %cond3A_532 {
        %add3A_645 = arith.constant 2 : i32
        %add3A_646 = arith.addi %mul3A_355, %add3A_645 : i32
        %mul3A_647 = arith.constant 16384 : i32
        %mul3A_648 = arith.muli %add3A_646, %mul3A_647 : i32
        %add3A_649 = arith.addi %mul3A_648, %mul3A_2 : i32
        %dma_wait3A_650 = arith.constant 0 : i32
        %dma_wait3A_651 = arith.constant 0 : i32
        %dma_wait3A_652 = arith.constant 0 : i32
        %dma_wait3A_653 = tpu.memref_slice %arg5[%dma_wait3A_650, %dma_wait3A_652] : memref<2x512xi32, #tpu.memory_space<vmem>> -> memref<1x512xi32, #tpu.memory_space<vmem>>
        %dma_wait3A_654 = tpu.memref_squeeze %dma_wait3A_653 : memref<1x512xi32, #tpu.memory_space<vmem>> -> memref<512xi32, #tpu.memory_space<vmem>>
        %dma_wait3A_655 = tpu.memref_slice %arg2[%add3A_649] : memref<3276800xi32, #tpu.memory_space<hbm>> -> memref<512xi32, #tpu.memory_space<hbm>>
        %dma_wait3A_656 = tpu.memref_slice %arg8[%dma_wait3A_651] : memref<2x!tpu.dma_semaphore, #tpu.memory_space<semaphore_mem>> -> memref<1x!tpu.dma_semaphore, #tpu.memory_space<semaphore_mem>>
        %dma_wait3A_657 = tpu.memref_squeeze %dma_wait3A_656 : memref<1x!tpu.dma_semaphore, #tpu.memory_space<semaphore_mem>> -> memref<!tpu.dma_semaphore, #tpu.memory_space<semaphore_mem>>
        %dma_wait3A_658 = arith.constant 0 : i32
        %dma_wait3A_659 = tpu.memref_slice %arg5[%dma_wait3A_650, %dma_wait3A_658] : memref<2x512xi32, #tpu.memory_space<vmem>> -> memref<1x512xi32, #tpu.memory_space<vmem>>
        %dma_wait3A_660 = tpu.memref_squeeze %dma_wait3A_659 : memref<1x512xi32, #tpu.memory_space<vmem>> -> memref<512xi32, #tpu.memory_space<vmem>>
        %dma_wait3A_661 = tpu.memref_slice %arg2[%add3A_649] : memref<3276800xi32, #tpu.memory_space<hbm>> -> memref<512xi32, #tpu.memory_space<hbm>>
        tpu.wait_dma2 semaphore(%dma_wait3A_657 : memref<!tpu.dma_semaphore, #tpu.memory_space<semaphore_mem>>) src(%dma_wait3A_661 : memref<512xi32, #tpu.memory_space<hbm>>) dst(%dma_wait3A_660 : memref<512xi32, #tpu.memory_space<vmem>>)
        %dma_start3A_662 = arith.constant 0 : i32
        %dma_start3A_663 = arith.constant 0 : i32
        %dma_start3A_664 = arith.constant 0 : i32
        %dma_start3A_665 = arith.constant 0 : i32
        %dma_start3A_666 = arith.constant 0 : i32
        %dma_start3A_667 = tpu.memref_slice %arg6[%dma_start3A_663, %dma_start3A_665, %dma_start3A_666] : memref<2x512x32xf32, #tpu.memory_space<vmem>> -> memref<1x512x32xf32, #tpu.memory_space<vmem>>
        %dma_start3A_668 = tpu.memref_squeeze %dma_start3A_667 : memref<1x512x32xf32, #tpu.memory_space<vmem>> -> memref<512x32xf32, #tpu.memory_space<vmem>>
        %dma_start3A_669 = arith.constant 0 : i32
        %dma_start3A_670 = tpu.memref_slice %arg5[%dma_start3A_662, %dma_start3A_669] : memref<2x512xi32, #tpu.memory_space<vmem>> -> memref<1x512xi32, #tpu.memory_space<vmem>>
        %dma_start3A_671 = tpu.memref_squeeze %dma_start3A_670 : memref<1x512xi32, #tpu.memory_space<vmem>> -> memref<512xi32, #tpu.memory_space<vmem>>
        %dma_start3A_672 = arith.constant 0 : i32
        %dma_start3A_673 = arith.constant 0 : i32
        %dma_start3A_674 = tpu.memref_slice %arg3[%dma_start3A_672, %dma_start3A_673] : memref<1000000x32xf32, #tpu.memory_space<hbm>> -> memref<1000000x32xf32, #tpu.memory_space<hbm>>
        %dma_start3A_675 = tpu.memref_slice %arg9[%dma_start3A_664] : memref<2x!tpu.dma_semaphore, #tpu.memory_space<semaphore_mem>> -> memref<1x!tpu.dma_semaphore, #tpu.memory_space<semaphore_mem>>
        %dma_start3A_676 = tpu.memref_squeeze %dma_start3A_675 : memref<1x!tpu.dma_semaphore, #tpu.memory_space<semaphore_mem>> -> memref<!tpu.dma_semaphore, #tpu.memory_space<semaphore_mem>>
        tpu.enqueue_indirect_dma source(%dma_start3A_674 : memref<1000000x32xf32, #tpu.memory_space<hbm>>) target(%dma_start3A_668 : memref<512x32xf32, #tpu.memory_space<vmem>>) offsets(%dma_start3A_671 : memref<512xi32, #tpu.memory_space<vmem>>) semaphore(%dma_start3A_676 : memref<!tpu.dma_semaphore, #tpu.memory_space<semaphore_mem>>)
        %add3A_677 = arith.constant 3 : i32
        %add3A_678 = arith.addi %mul3A_355, %add3A_677 : i32
        %mul3A_679 = arith.constant 16384 : i32
        %mul3A_680 = arith.muli %add3A_678, %mul3A_679 : i32
        %add3A_681 = arith.addi %mul3A_680, %mul3A_2 : i32
        %dma_start3A_682 = arith.constant 1 : i32
        %dma_start3A_683 = arith.constant 1 : i32
        %dma_start3A_684 = arith.constant 0 : i32
        %dma_start3A_685 = tpu.memref_slice %arg5[%dma_start3A_682, %dma_start3A_684] : memref<2x512xi32, #tpu.memory_space<vmem>> -> memref<1x512xi32, #tpu.memory_space<vmem>>
        %dma_start3A_686 = tpu.memref_squeeze %dma_start3A_685 : memref<1x512xi32, #tpu.memory_space<vmem>> -> memref<512xi32, #tpu.memory_space<vmem>>
        %dma_start3A_687 = tpu.memref_slice %arg2[%add3A_681] : memref<3276800xi32, #tpu.memory_space<hbm>> -> memref<512xi32, #tpu.memory_space<hbm>>
        %dma_start3A_688 = tpu.memref_slice %arg8[%dma_start3A_683] : memref<2x!tpu.dma_semaphore, #tpu.memory_space<semaphore_mem>> -> memref<1x!tpu.dma_semaphore, #tpu.memory_space<semaphore_mem>>
        %dma_start3A_689 = tpu.memref_squeeze %dma_start3A_688 : memref<1x!tpu.dma_semaphore, #tpu.memory_space<semaphore_mem>> -> memref<!tpu.dma_semaphore, #tpu.memory_space<semaphore_mem>>
        %dma_start3A_690 = arith.constant 0 : i32
        %dma_start3A_691 = tpu.memref_slice %arg5[%dma_start3A_682, %dma_start3A_690] : memref<2x512xi32, #tpu.memory_space<vmem>> -> memref<1x512xi32, #tpu.memory_space<vmem>>
        %dma_start3A_692 = tpu.memref_squeeze %dma_start3A_691 : memref<1x512xi32, #tpu.memory_space<vmem>> -> memref<512xi32, #tpu.memory_space<vmem>>
        %dma_start3A_693 = tpu.memref_slice %arg2[%add3A_681] : memref<3276800xi32, #tpu.memory_space<hbm>> -> memref<512xi32, #tpu.memory_space<hbm>>
        tpu.enqueue_dma source(%dma_start3A_693 : memref<512xi32, #tpu.memory_space<hbm>>) target(%dma_start3A_692 : memref<512xi32, #tpu.memory_space<vmem>>) target_semaphore(%dma_start3A_689 : memref<!tpu.dma_semaphore, #tpu.memory_space<semaphore_mem>>)
      } else {
      }
      %ge3A_533 = arith.constant 1 : i32
      %ge3A_534 = arith.cmpi sge, %scan3A_352, %ge3A_533 : i32
      %convert_element_type3A_535 = arith.extui %ge3A_534 : i1 to i32
      %cond3A_536 = arith.constant 0 : i32
      %cond3A_537 = arith.cmpi ne, %convert_element_type3A_535, %cond3A_536 : i32
      scf.if %cond3A_537 {
        %sub3A_645 = arith.constant 1 : i32
        %sub3A_646 = arith.subi %mul3A_355, %sub3A_645 : i32
        %mul3A_647 = arith.constant 4 : i32
        %mul3A_648 = arith.muli %mul3A_647, %add3A : i32
        %mul3A_649 = arith.constant 4 : i32
        %mul3A_650 = arith.muli %mul3A_649, %add3A : i32
        %mul3A_651 = arith.constant 4 : i32
        %mul3A_652 = arith.muli %mul3A_651, %add3A : i32
        %mul3A_653 = arith.constant 4 : i32
        %mul3A_654 = arith.muli %mul3A_653, %add3A : i32
        %dma_wait3A_655 = arith.constant 1 : i32
        %dma_wait3A_656 = arith.constant 0 : i32
        %dma_wait3A_657 = arith.constant 0 : i32
        %dma_wait3A_658 = arith.constant 1 : i32
        %dma_wait3A_659 = arith.constant 0 : i32
        %dma_wait3A_660 = arith.constant 0 : i32
        %dma_wait3A_661 = arith.constant 0 : i32
        %dma_wait3A_662 = tpu.memref_slice %arg7[%dma_wait3A_655, %dma_wait3A_659, %dma_wait3A_656, %dma_wait3A_660, %dma_wait3A_661] : memref<2x4x4x8x129xf32, #tpu.memory_space<vmem>> -> memref<1x4x1x8x128xf32, #tpu.memory_space<vmem>>
        %dma_wait3A_663 = tpu.memref_squeeze %dma_wait3A_662 : memref<1x4x1x8x128xf32, #tpu.memory_space<vmem>> -> memref<4x8x128xf32, #tpu.memory_space<vmem>>
        %dma_wait3A_664 = arith.constant 0 : i32
        %dma_wait3A_665 = arith.constant 0 : i32
        %dma_wait3A_666 = tpu.memref_slice %arg4[%sub3A_646, %dma_wait3A_657, %mul3A_648, %dma_wait3A_664, %dma_wait3A_665] : memref<200x4x128x8x128xf32, #tpu.memory_space<hbm>> -> memref<1x1x4x8x128xf32, #tpu.memory_space<hbm>>
        %dma_wait3A_667 = tpu.memref_squeeze %dma_wait3A_666 : memref<1x1x4x8x128xf32, #tpu.memory_space<hbm>> -> memref<4x8x128xf32, #tpu.memory_space<hbm>>
        %dma_wait3A_668 = tpu.memref_slice %arg10[%dma_wait3A_658] : memref<2x!tpu.dma_semaphore, #tpu.memory_space<semaphore_mem>> -> memref<1x!tpu.dma_semaphore, #tpu.memory_space<semaphore_mem>>
        %dma_wait3A_669 = tpu.memref_squeeze %dma_wait3A_668 : memref<1x!tpu.dma_semaphore, #tpu.memory_space<semaphore_mem>> -> memref<!tpu.dma_semaphore, #tpu.memory_space<semaphore_mem>>
        %dma_wait3A_670 = arith.constant 0 : i32
        %dma_wait3A_671 = arith.constant 0 : i32
        %dma_wait3A_672 = tpu.memref_slice %arg4[%sub3A_646, %dma_wait3A_657, %mul3A_648, %dma_wait3A_670, %dma_wait3A_671] : memref<200x4x128x8x128xf32, #tpu.memory_space<hbm>> -> memref<1x1x4x8x128xf32, #tpu.memory_space<hbm>>
        %dma_wait3A_673 = tpu.memref_squeeze %dma_wait3A_672 : memref<1x1x4x8x128xf32, #tpu.memory_space<hbm>> -> memref<4x8x128xf32, #tpu.memory_space<hbm>>
        %dma_wait3A_674 = arith.constant 0 : i32
        %dma_wait3A_675 = arith.constant 0 : i32
        %dma_wait3A_676 = arith.constant 0 : i32
        %dma_wait3A_677 = tpu.memref_slice %arg7[%dma_wait3A_655, %dma_wait3A_674, %dma_wait3A_656, %dma_wait3A_675, %dma_wait3A_676] : memref<2x4x4x8x129xf32, #tpu.memory_space<vmem>> -> memref<1x4x1x8x128xf32, #tpu.memory_space<vmem>>
        %dma_wait3A_678 = tpu.memref_squeeze %dma_wait3A_677 : memref<1x4x1x8x128xf32, #tpu.memory_space<vmem>> -> memref<4x8x128xf32, #tpu.memory_space<vmem>>
        tpu.wait_dma2 semaphore(%dma_wait3A_669 : memref<!tpu.dma_semaphore, #tpu.memory_space<semaphore_mem>>) src(%dma_wait3A_678 : memref<4x8x128xf32, #tpu.memory_space<vmem>>) dst(%dma_wait3A_673 : memref<4x8x128xf32, #tpu.memory_space<hbm>>)
        %dma_wait3A_679 = arith.constant 1 : i32
        %dma_wait3A_680 = arith.constant 1 : i32
        %dma_wait3A_681 = arith.constant 1 : i32
        %dma_wait3A_682 = arith.constant 1 : i32
        %dma_wait3A_683 = arith.constant 0 : i32
        %dma_wait3A_684 = arith.constant 0 : i32
        %dma_wait3A_685 = arith.constant 0 : i32
        %dma_wait3A_686 = tpu.memref_slice %arg7[%dma_wait3A_679, %dma_wait3A_683, %dma_wait3A_680, %dma_wait3A_684, %dma_wait3A_685] : memref<2x4x4x8x129xf32, #tpu.memory_space<vmem>> -> memref<1x4x1x8x128xf32, #tpu.memory_space<vmem>>
        %dma_wait3A_687 = tpu.memref_squeeze %dma_wait3A_686 : memref<1x4x1x8x128xf32, #tpu.memory_space<vmem>> -> memref<4x8x128xf32, #tpu.memory_space<vmem>>
        %dma_wait3A_688 = arith.constant 0 : i32
        %dma_wait3A_689 = arith.constant 0 : i32
        %dma_wait3A_690 = tpu.memref_slice %arg4[%sub3A_646, %dma_wait3A_681, %mul3A_650, %dma_wait3A_688, %dma_wait3A_689] : memref<200x4x128x8x128xf32, #tpu.memory_space<hbm>> -> memref<1x1x4x8x128xf32, #tpu.memory_space<hbm>>
        %dma_wait3A_691 = tpu.memref_squeeze %dma_wait3A_690 : memref<1x1x4x8x128xf32, #tpu.memory_space<hbm>> -> memref<4x8x128xf32, #tpu.memory_space<hbm>>
        %dma_wait3A_692 = tpu.memref_slice %arg10[%dma_wait3A_682] : memref<2x!tpu.dma_semaphore, #tpu.memory_space<semaphore_mem>> -> memref<1x!tpu.dma_semaphore, #tpu.memory_space<semaphore_mem>>
        %dma_wait3A_693 = tpu.memref_squeeze %dma_wait3A_692 : memref<1x!tpu.dma_semaphore, #tpu.memory_space<semaphore_mem>> -> memref<!tpu.dma_semaphore, #tpu.memory_space<semaphore_mem>>
        %dma_wait3A_694 = arith.constant 0 : i32
        %dma_wait3A_695 = arith.constant 0 : i32
        %dma_wait3A_696 = tpu.memref_slice %arg4[%sub3A_646, %dma_wait3A_681, %mul3A_650, %dma_wait3A_694, %dma_wait3A_695] : memref<200x4x128x8x128xf32, #tpu.memory_space<hbm>> -> memref<1x1x4x8x128xf32, #tpu.memory_space<hbm>>
        %dma_wait3A_697 = tpu.memref_squeeze %dma_wait3A_696 : memref<1x1x4x8x128xf32, #tpu.memory_space<hbm>> -> memref<4x8x128xf32, #tpu.memory_space<hbm>>
        %dma_wait3A_698 = arith.constant 0 : i32
        %dma_wait3A_699 = arith.constant 0 : i32
        %dma_wait3A_700 = arith.constant 0 : i32
        %dma_wait3A_701 = tpu.memref_slice %arg7[%dma_wait3A_679, %dma_wait3A_698, %dma_wait3A_680, %dma_wait3A_699, %dma_wait3A_700] : memref<2x4x4x8x129xf32, #tpu.memory_space<vmem>> -> memref<1x4x1x8x128xf32, #tpu.memory_space<vmem>>
        %dma_wait3A_702 = tpu.memref_squeeze %dma_wait3A_701 : memref<1x4x1x8x128xf32, #tpu.memory_space<vmem>> -> memref<4x8x128xf32, #tpu.memory_space<vmem>>
        tpu.wait_dma2 semaphore(%dma_wait3A_693 : memref<!tpu.dma_semaphore, #tpu.memory_space<semaphore_mem>>) src(%dma_wait3A_702 : memref<4x8x128xf32, #tpu.memory_space<vmem>>) dst(%dma_wait3A_697 : memref<4x8x128xf32, #tpu.memory_space<hbm>>)
        %dma_wait3A_703 = arith.constant 1 : i32
        %dma_wait3A_704 = arith.constant 2 : i32
        %dma_wait3A_705 = arith.constant 2 : i32
        %dma_wait3A_706 = arith.constant 1 : i32
        %dma_wait3A_707 = arith.constant 0 : i32
        %dma_wait3A_708 = arith.constant 0 : i32
        %dma_wait3A_709 = arith.constant 0 : i32
        %dma_wait3A_710 = tpu.memref_slice %arg7[%dma_wait3A_703, %dma_wait3A_707, %dma_wait3A_704, %dma_wait3A_708, %dma_wait3A_709] : memref<2x4x4x8x129xf32, #tpu.memory_space<vmem>> -> memref<1x4x1x8x128xf32, #tpu.memory_space<vmem>>
        %dma_wait3A_711 = tpu.memref_squeeze %dma_wait3A_710 : memref<1x4x1x8x128xf32, #tpu.memory_space<vmem>> -> memref<4x8x128xf32, #tpu.memory_space<vmem>>
        %dma_wait3A_712 = arith.constant 0 : i32
        %dma_wait3A_713 = arith.constant 0 : i32
        %dma_wait3A_714 = tpu.memref_slice %arg4[%sub3A_646, %dma_wait3A_705, %mul3A_652, %dma_wait3A_712, %dma_wait3A_713] : memref<200x4x128x8x128xf32, #tpu.memory_space<hbm>> -> memref<1x1x4x8x128xf32, #tpu.memory_space<hbm>>
        %dma_wait3A_715 = tpu.memref_squeeze %dma_wait3A_714 : memref<1x1x4x8x128xf32, #tpu.memory_space<hbm>> -> memref<4x8x128xf32, #tpu.memory_space<hbm>>
        %dma_wait3A_716 = tpu.memref_slice %arg10[%dma_wait3A_706] : memref<2x!tpu.dma_semaphore, #tpu.memory_space<semaphore_mem>> -> memref<1x!tpu.dma_semaphore, #tpu.memory_space<semaphore_mem>>
        %dma_wait3A_717 = tpu.memref_squeeze %dma_wait3A_716 : memref<1x!tpu.dma_semaphore, #tpu.memory_space<semaphore_mem>> -> memref<!tpu.dma_semaphore, #tpu.memory_space<semaphore_mem>>
        %dma_wait3A_718 = arith.constant 0 : i32
        %dma_wait3A_719 = arith.constant 0 : i32
        %dma_wait3A_720 = tpu.memref_slice %arg4[%sub3A_646, %dma_wait3A_705, %mul3A_652, %dma_wait3A_718, %dma_wait3A_719] : memref<200x4x128x8x128xf32, #tpu.memory_space<hbm>> -> memref<1x1x4x8x128xf32, #tpu.memory_space<hbm>>
        %dma_wait3A_721 = tpu.memref_squeeze %dma_wait3A_720 : memref<1x1x4x8x128xf32, #tpu.memory_space<hbm>> -> memref<4x8x128xf32, #tpu.memory_space<hbm>>
        %dma_wait3A_722 = arith.constant 0 : i32
        %dma_wait3A_723 = arith.constant 0 : i32
        %dma_wait3A_724 = arith.constant 0 : i32
        %dma_wait3A_725 = tpu.memref_slice %arg7[%dma_wait3A_703, %dma_wait3A_722, %dma_wait3A_704, %dma_wait3A_723, %dma_wait3A_724] : memref<2x4x4x8x129xf32, #tpu.memory_space<vmem>> -> memref<1x4x1x8x128xf32, #tpu.memory_space<vmem>>
        %dma_wait3A_726 = tpu.memref_squeeze %dma_wait3A_725 : memref<1x4x1x8x128xf32, #tpu.memory_space<vmem>> -> memref<4x8x128xf32, #tpu.memory_space<vmem>>
        tpu.wait_dma2 semaphore(%dma_wait3A_717 : memref<!tpu.dma_semaphore, #tpu.memory_space<semaphore_mem>>) src(%dma_wait3A_726 : memref<4x8x128xf32, #tpu.memory_space<vmem>>) dst(%dma_wait3A_721 : memref<4x8x128xf32, #tpu.memory_space<hbm>>)
        %dma_wait3A_727 = arith.constant 1 : i32
        %dma_wait3A_728 = arith.constant 3 : i32
        %dma_wait3A_729 = arith.constant 3 : i32
        %dma_wait3A_730 = arith.constant 1 : i32
        %dma_wait3A_731 = arith.constant 0 : i32
        %dma_wait3A_732 = arith.constant 0 : i32
        %dma_wait3A_733 = arith.constant 0 : i32
        %dma_wait3A_734 = tpu.memref_slice %arg7[%dma_wait3A_727, %dma_wait3A_731, %dma_wait3A_728, %dma_wait3A_732, %dma_wait3A_733] : memref<2x4x4x8x129xf32, #tpu.memory_space<vmem>> -> memref<1x4x1x8x128xf32, #tpu.memory_space<vmem>>
        %dma_wait3A_735 = tpu.memref_squeeze %dma_wait3A_734 : memref<1x4x1x8x128xf32, #tpu.memory_space<vmem>> -> memref<4x8x128xf32, #tpu.memory_space<vmem>>
        %dma_wait3A_736 = arith.constant 0 : i32
        %dma_wait3A_737 = arith.constant 0 : i32
        %dma_wait3A_738 = tpu.memref_slice %arg4[%sub3A_646, %dma_wait3A_729, %mul3A_654, %dma_wait3A_736, %dma_wait3A_737] : memref<200x4x128x8x128xf32, #tpu.memory_space<hbm>> -> memref<1x1x4x8x128xf32, #tpu.memory_space<hbm>>
        %dma_wait3A_739 = tpu.memref_squeeze %dma_wait3A_738 : memref<1x1x4x8x128xf32, #tpu.memory_space<hbm>> -> memref<4x8x128xf32, #tpu.memory_space<hbm>>
        %dma_wait3A_740 = tpu.memref_slice %arg10[%dma_wait3A_730] : memref<2x!tpu.dma_semaphore, #tpu.memory_space<semaphore_mem>> -> memref<1x!tpu.dma_semaphore, #tpu.memory_space<semaphore_mem>>
        %dma_wait3A_741 = tpu.memref_squeeze %dma_wait3A_740 : memref<1x!tpu.dma_semaphore, #tpu.memory_space<semaphore_mem>> -> memref<!tpu.dma_semaphore, #tpu.memory_space<semaphore_mem>>
        %dma_wait3A_742 = arith.constant 0 : i32
        %dma_wait3A_743 = arith.constant 0 : i32
        %dma_wait3A_744 = tpu.memref_slice %arg4[%sub3A_646, %dma_wait3A_729, %mul3A_654, %dma_wait3A_742, %dma_wait3A_743] : memref<200x4x128x8x128xf32, #tpu.memory_space<hbm>> -> memref<1x1x4x8x128xf32, #tpu.memory_space<hbm>>
        %dma_wait3A_745 = tpu.memref_squeeze %dma_wait3A_744 : memref<1x1x4x8x128xf32, #tpu.memory_space<hbm>> -> memref<4x8x128xf32, #tpu.memory_space<hbm>>
        %dma_wait3A_746 = arith.constant 0 : i32
        %dma_wait3A_747 = arith.constant 0 : i32
        %dma_wait3A_748 = arith.constant 0 : i32
        %dma_wait3A_749 = tpu.memref_slice %arg7[%dma_wait3A_727, %dma_wait3A_746, %dma_wait3A_728, %dma_wait3A_747, %dma_wait3A_748] : memref<2x4x4x8x129xf32, #tpu.memory_space<vmem>> -> memref<1x4x1x8x128xf32, #tpu.memory_space<vmem>>
        %dma_wait3A_750 = tpu.memref_squeeze %dma_wait3A_749 : memref<1x4x1x8x128xf32, #tpu.memory_space<vmem>> -> memref<4x8x128xf32, #tpu.memory_space<vmem>>
        tpu.wait_dma2 semaphore(%dma_wait3A_741 : memref<!tpu.dma_semaphore, #tpu.memory_space<semaphore_mem>>) src(%dma_wait3A_750 : memref<4x8x128xf32, #tpu.memory_space<vmem>>) dst(%dma_wait3A_745 : memref<4x8x128xf32, #tpu.memory_space<hbm>>)
      } else {
      }
      %add3A_538 = arith.constant 1 : i32
      %add3A_539 = arith.addi %mul3A_355, %add3A_538 : i32
      %mul3A_540 = arith.constant 4 : i32
      %mul3A_541 = arith.muli %mul3A_540, %add3A : i32
      %mul3A_542 = arith.constant 4 : i32
      %mul3A_543 = arith.muli %mul3A_542, %add3A : i32
      %mul3A_544 = arith.constant 4 : i32
      %mul3A_545 = arith.muli %mul3A_544, %add3A : i32
      %mul3A_546 = arith.constant 4 : i32
      %mul3A_547 = arith.muli %mul3A_546, %add3A : i32
      %dma_start3A_548 = arith.constant 1 : i32
      %dma_start3A_549 = arith.constant 0 : i32
      %dma_start3A_550 = arith.constant 0 : i32
      %dma_start3A_551 = arith.constant 1 : i32
      %dma_start3A_552 = arith.constant 0 : i32
      %dma_start3A_553 = arith.constant 0 : i32
      %dma_start3A_554 = arith.constant 0 : i32
      %dma_start3A_555 = tpu.memref_slice %arg7[%dma_start3A_548, %dma_start3A_552, %dma_start3A_549, %dma_start3A_553, %dma_start3A_554] : memref<2x4x4x8x129xf32, #tpu.memory_space<vmem>> -> memref<1x4x1x8x128xf32, #tpu.memory_space<vmem>>
      %dma_start3A_556 = tpu.memref_squeeze %dma_start3A_555 : memref<1x4x1x8x128xf32, #tpu.memory_space<vmem>> -> memref<4x8x128xf32, #tpu.memory_space<vmem>>
      %dma_start3A_557 = arith.constant 0 : i32
      %dma_start3A_558 = arith.constant 0 : i32
      %dma_start3A_559 = tpu.memref_slice %arg4[%add3A_539, %dma_start3A_550, %mul3A_541, %dma_start3A_557, %dma_start3A_558] : memref<200x4x128x8x128xf32, #tpu.memory_space<hbm>> -> memref<1x1x4x8x128xf32, #tpu.memory_space<hbm>>
      %dma_start3A_560 = tpu.memref_squeeze %dma_start3A_559 : memref<1x1x4x8x128xf32, #tpu.memory_space<hbm>> -> memref<4x8x128xf32, #tpu.memory_space<hbm>>
      %dma_start3A_561 = tpu.memref_slice %arg10[%dma_start3A_551] : memref<2x!tpu.dma_semaphore, #tpu.memory_space<semaphore_mem>> -> memref<1x!tpu.dma_semaphore, #tpu.memory_space<semaphore_mem>>
      %dma_start3A_562 = tpu.memref_squeeze %dma_start3A_561 : memref<1x!tpu.dma_semaphore, #tpu.memory_space<semaphore_mem>> -> memref<!tpu.dma_semaphore, #tpu.memory_space<semaphore_mem>>
      %dma_start3A_563 = arith.constant 0 : i32
      %dma_start3A_564 = arith.constant 0 : i32
      %dma_start3A_565 = tpu.memref_slice %arg4[%add3A_539, %dma_start3A_550, %mul3A_541, %dma_start3A_563, %dma_start3A_564] : memref<200x4x128x8x128xf32, #tpu.memory_space<hbm>> -> memref<1x1x4x8x128xf32, #tpu.memory_space<hbm>>
      %dma_start3A_566 = tpu.memref_squeeze %dma_start3A_565 : memref<1x1x4x8x128xf32, #tpu.memory_space<hbm>> -> memref<4x8x128xf32, #tpu.memory_space<hbm>>
      %dma_start3A_567 = arith.constant 0 : i32
      %dma_start3A_568 = arith.constant 0 : i32
      %dma_start3A_569 = arith.constant 0 : i32
      %dma_start3A_570 = tpu.memref_slice %arg7[%dma_start3A_548, %dma_start3A_567, %dma_start3A_549, %dma_start3A_568, %dma_start3A_569] : memref<2x4x4x8x129xf32, #tpu.memory_space<vmem>> -> memref<1x4x1x8x128xf32, #tpu.memory_space<vmem>>
      %dma_start3A_571 = tpu.memref_squeeze %dma_start3A_570 : memref<1x4x1x8x128xf32, #tpu.memory_space<vmem>> -> memref<4x8x128xf32, #tpu.memory_space<vmem>>
      tpu.enqueue_dma source(%dma_start3A_571 : memref<4x8x128xf32, #tpu.memory_space<vmem>>) target(%dma_start3A_566 : memref<4x8x128xf32, #tpu.memory_space<hbm>>) target_semaphore(%dma_start3A_562 : memref<!tpu.dma_semaphore, #tpu.memory_space<semaphore_mem>>)
      %dma_start3A_572 = arith.constant 1 : i32
      %dma_start3A_573 = arith.constant 1 : i32
      %dma_start3A_574 = arith.constant 1 : i32
      %dma_start3A_575 = arith.constant 1 : i32
      %dma_start3A_576 = arith.constant 0 : i32
      %dma_start3A_577 = arith.constant 0 : i32
      %dma_start3A_578 = arith.constant 0 : i32
      %dma_start3A_579 = tpu.memref_slice %arg7[%dma_start3A_572, %dma_start3A_576, %dma_start3A_573, %dma_start3A_577, %dma_start3A_578] : memref<2x4x4x8x129xf32, #tpu.memory_space<vmem>> -> memref<1x4x1x8x128xf32, #tpu.memory_space<vmem>>
      %dma_start3A_580 = tpu.memref_squeeze %dma_start3A_579 : memref<1x4x1x8x128xf32, #tpu.memory_space<vmem>> -> memref<4x8x128xf32, #tpu.memory_space<vmem>>
      %dma_start3A_581 = arith.constant 0 : i32
      %dma_start3A_582 = arith.constant 0 : i32
      %dma_start3A_583 = tpu.memref_slice %arg4[%add3A_539, %dma_start3A_574, %mul3A_543, %dma_start3A_581, %dma_start3A_582] : memref<200x4x128x8x128xf32, #tpu.memory_space<hbm>> -> memref<1x1x4x8x128xf32, #tpu.memory_space<hbm>>
      %dma_start3A_584 = tpu.memref_squeeze %dma_start3A_583 : memref<1x1x4x8x128xf32, #tpu.memory_space<hbm>> -> memref<4x8x128xf32, #tpu.memory_space<hbm>>
      %dma_start3A_585 = tpu.memref_slice %arg10[%dma_start3A_575] : memref<2x!tpu.dma_semaphore, #tpu.memory_space<semaphore_mem>> -> memref<1x!tpu.dma_semaphore, #tpu.memory_space<semaphore_mem>>
      %dma_start3A_586 = tpu.memref_squeeze %dma_start3A_585 : memref<1x!tpu.dma_semaphore, #tpu.memory_space<semaphore_mem>> -> memref<!tpu.dma_semaphore, #tpu.memory_space<semaphore_mem>>
      %dma_start3A_587 = arith.constant 0 : i32
      %dma_start3A_588 = arith.constant 0 : i32
      %dma_start3A_589 = tpu.memref_slice %arg4[%add3A_539, %dma_start3A_574, %mul3A_543, %dma_start3A_587, %dma_start3A_588] : memref<200x4x128x8x128xf32, #tpu.memory_space<hbm>> -> memref<1x1x4x8x128xf32, #tpu.memory_space<hbm>>
      %dma_start3A_590 = tpu.memref_squeeze %dma_start3A_589 : memref<1x1x4x8x128xf32, #tpu.memory_space<hbm>> -> memref<4x8x128xf32, #tpu.memory_space<hbm>>
      %dma_start3A_591 = arith.constant 0 : i32
      %dma_start3A_592 = arith.constant 0 : i32
      %dma_start3A_593 = arith.constant 0 : i32
      %dma_start3A_594 = tpu.memref_slice %arg7[%dma_start3A_572, %dma_start3A_591, %dma_start3A_573, %dma_start3A_592, %dma_start3A_593] : memref<2x4x4x8x129xf32, #tpu.memory_space<vmem>> -> memref<1x4x1x8x128xf32, #tpu.memory_space<vmem>>
      %dma_start3A_595 = tpu.memref_squeeze %dma_start3A_594 : memref<1x4x1x8x128xf32, #tpu.memory_space<vmem>> -> memref<4x8x128xf32, #tpu.memory_space<vmem>>
      tpu.enqueue_dma source(%dma_start3A_595 : memref<4x8x128xf32, #tpu.memory_space<vmem>>) target(%dma_start3A_590 : memref<4x8x128xf32, #tpu.memory_space<hbm>>) target_semaphore(%dma_start3A_586 : memref<!tpu.dma_semaphore, #tpu.memory_space<semaphore_mem>>)
      %dma_start3A_596 = arith.constant 1 : i32
      %dma_start3A_597 = arith.constant 2 : i32
      %dma_start3A_598 = arith.constant 2 : i32
      %dma_start3A_599 = arith.constant 1 : i32
      %dma_start3A_600 = arith.constant 0 : i32
      %dma_start3A_601 = arith.constant 0 : i32
      %dma_start3A_602 = arith.constant 0 : i32
      %dma_start3A_603 = tpu.memref_slice %arg7[%dma_start3A_596, %dma_start3A_600, %dma_start3A_597, %dma_start3A_601, %dma_start3A_602] : memref<2x4x4x8x129xf32, #tpu.memory_space<vmem>> -> memref<1x4x1x8x128xf32, #tpu.memory_space<vmem>>
      %dma_start3A_604 = tpu.memref_squeeze %dma_start3A_603 : memref<1x4x1x8x128xf32, #tpu.memory_space<vmem>> -> memref<4x8x128xf32, #tpu.memory_space<vmem>>
      %dma_start3A_605 = arith.constant 0 : i32
      %dma_start3A_606 = arith.constant 0 : i32
      %dma_start3A_607 = tpu.memref_slice %arg4[%add3A_539, %dma_start3A_598, %mul3A_545, %dma_start3A_605, %dma_start3A_606] : memref<200x4x128x8x128xf32, #tpu.memory_space<hbm>> -> memref<1x1x4x8x128xf32, #tpu.memory_space<hbm>>
      %dma_start3A_608 = tpu.memref_squeeze %dma_start3A_607 : memref<1x1x4x8x128xf32, #tpu.memory_space<hbm>> -> memref<4x8x128xf32, #tpu.memory_space<hbm>>
      %dma_start3A_609 = tpu.memref_slice %arg10[%dma_start3A_599] : memref<2x!tpu.dma_semaphore, #tpu.memory_space<semaphore_mem>> -> memref<1x!tpu.dma_semaphore, #tpu.memory_space<semaphore_mem>>
      %dma_start3A_610 = tpu.memref_squeeze %dma_start3A_609 : memref<1x!tpu.dma_semaphore, #tpu.memory_space<semaphore_mem>> -> memref<!tpu.dma_semaphore, #tpu.memory_space<semaphore_mem>>
      %dma_start3A_611 = arith.constant 0 : i32
      %dma_start3A_612 = arith.constant 0 : i32
      %dma_start3A_613 = tpu.memref_slice %arg4[%add3A_539, %dma_start3A_598, %mul3A_545, %dma_start3A_611, %dma_start3A_612] : memref<200x4x128x8x128xf32, #tpu.memory_space<hbm>> -> memref<1x1x4x8x128xf32, #tpu.memory_space<hbm>>
      %dma_start3A_614 = tpu.memref_squeeze %dma_start3A_613 : memref<1x1x4x8x128xf32, #tpu.memory_space<hbm>> -> memref<4x8x128xf32, #tpu.memory_space<hbm>>
      %dma_start3A_615 = arith.constant 0 : i32
      %dma_start3A_616 = arith.constant 0 : i32
      %dma_start3A_617 = arith.constant 0 : i32
      %dma_start3A_618 = tpu.memref_slice %arg7[%dma_start3A_596, %dma_start3A_615, %dma_start3A_597, %dma_start3A_616, %dma_start3A_617] : memref<2x4x4x8x129xf32, #tpu.memory_space<vmem>> -> memref<1x4x1x8x128xf32, #tpu.memory_space<vmem>>
      %dma_start3A_619 = tpu.memref_squeeze %dma_start3A_618 : memref<1x4x1x8x128xf32, #tpu.memory_space<vmem>> -> memref<4x8x128xf32, #tpu.memory_space<vmem>>
      tpu.enqueue_dma source(%dma_start3A_619 : memref<4x8x128xf32, #tpu.memory_space<vmem>>) target(%dma_start3A_614 : memref<4x8x128xf32, #tpu.memory_space<hbm>>) target_semaphore(%dma_start3A_610 : memref<!tpu.dma_semaphore, #tpu.memory_space<semaphore_mem>>)
      %dma_start3A_620 = arith.constant 1 : i32
      %dma_start3A_621 = arith.constant 3 : i32
      %dma_start3A_622 = arith.constant 3 : i32
      %dma_start3A_623 = arith.constant 1 : i32
      %dma_start3A_624 = arith.constant 0 : i32
      %dma_start3A_625 = arith.constant 0 : i32
      %dma_start3A_626 = arith.constant 0 : i32
      %dma_start3A_627 = tpu.memref_slice %arg7[%dma_start3A_620, %dma_start3A_624, %dma_start3A_621, %dma_start3A_625, %dma_start3A_626] : memref<2x4x4x8x129xf32, #tpu.memory_space<vmem>> -> memref<1x4x1x8x128xf32, #tpu.memory_space<vmem>>
      %dma_start3A_628 = tpu.memref_squeeze %dma_start3A_627 : memref<1x4x1x8x128xf32, #tpu.memory_space<vmem>> -> memref<4x8x128xf32, #tpu.memory_space<vmem>>
      %dma_start3A_629 = arith.constant 0 : i32
      %dma_start3A_630 = arith.constant 0 : i32
      %dma_start3A_631 = tpu.memref_slice %arg4[%add3A_539, %dma_start3A_622, %mul3A_547, %dma_start3A_629, %dma_start3A_630] : memref<200x4x128x8x128xf32, #tpu.memory_space<hbm>> -> memref<1x1x4x8x128xf32, #tpu.memory_space<hbm>>
      %dma_start3A_632 = tpu.memref_squeeze %dma_start3A_631 : memref<1x1x4x8x128xf32, #tpu.memory_space<hbm>> -> memref<4x8x128xf32, #tpu.memory_space<hbm>>
      %dma_start3A_633 = tpu.memref_slice %arg10[%dma_start3A_623] : memref<2x!tpu.dma_semaphore, #tpu.memory_space<semaphore_mem>> -> memref<1x!tpu.dma_semaphore, #tpu.memory_space<semaphore_mem>>
      %dma_start3A_634 = tpu.memref_squeeze %dma_start3A_633 : memref<1x!tpu.dma_semaphore, #tpu.memory_space<semaphore_mem>> -> memref<!tpu.dma_semaphore, #tpu.memory_space<semaphore_mem>>
      %dma_start3A_635 = arith.constant 0 : i32
      %dma_start3A_636 = arith.constant 0 : i32
      %dma_start3A_637 = tpu.memref_slice %arg4[%add3A_539, %dma_start3A_622, %mul3A_547, %dma_start3A_635, %dma_start3A_636] : memref<200x4x128x8x128xf32, #tpu.memory_space<hbm>> -> memref<1x1x4x8x128xf32, #tpu.memory_space<hbm>>
      %dma_start3A_638 = tpu.memref_squeeze %dma_start3A_637 : memref<1x1x4x8x128xf32, #tpu.memory_space<hbm>> -> memref<4x8x128xf32, #tpu.memory_space<hbm>>
      %dma_start3A_639 = arith.constant 0 : i32
      %dma_start3A_640 = arith.constant 0 : i32
      %dma_start3A_641 = arith.constant 0 : i32
      %dma_start3A_642 = tpu.memref_slice %arg7[%dma_start3A_620, %dma_start3A_639, %dma_start3A_621, %dma_start3A_640, %dma_start3A_641] : memref<2x4x4x8x129xf32, #tpu.memory_space<vmem>> -> memref<1x4x1x8x128xf32, #tpu.memory_space<vmem>>
      %dma_start3A_643 = tpu.memref_squeeze %dma_start3A_642 : memref<1x4x1x8x128xf32, #tpu.memory_space<vmem>> -> memref<4x8x128xf32, #tpu.memory_space<vmem>>
      tpu.enqueue_dma source(%dma_start3A_643 : memref<4x8x128xf32, #tpu.memory_space<vmem>>) target(%dma_start3A_638 : memref<4x8x128xf32, #tpu.memory_space<hbm>>) target_semaphore(%dma_start3A_634 : memref<!tpu.dma_semaphore, #tpu.memory_space<semaphore_mem>>)
      %scan3A_644 = arith.constant 0 : i32
      scf.yield %scan3A_644 : i32
    }
    %scan3A_135 = arith.constant 100 : i32
    %mul3A_136 = arith.constant 4 : i32
    %mul3A_137 = arith.muli %mul3A_136, %add3A : i32
    %mul3A_138 = arith.constant 4 : i32
    %mul3A_139 = arith.muli %mul3A_138, %add3A : i32
    %mul3A_140 = arith.constant 4 : i32
    %mul3A_141 = arith.muli %mul3A_140, %add3A : i32
    %mul3A_142 = arith.constant 4 : i32
    %mul3A_143 = arith.muli %mul3A_142, %add3A : i32
    %dma_wait3A_144 = arith.constant 0 : i32
    %dma_wait3A_145 = arith.constant 0 : i32
    %dma_wait3A_146 = arith.constant 198 : i32
    %dma_wait3A_147 = arith.constant 0 : i32
    %dma_wait3A_148 = arith.constant 0 : i32
    %dma_wait3A_149 = arith.constant 0 : i32
    %dma_wait3A_150 = arith.constant 0 : i32
    %dma_wait3A_151 = arith.constant 0 : i32
    %dma_wait3A_152 = tpu.memref_slice %arg7[%dma_wait3A_144, %dma_wait3A_149, %dma_wait3A_145, %dma_wait3A_150, %dma_wait3A_151] : memref<2x4x4x8x129xf32, #tpu.memory_space<vmem>> -> memref<1x4x1x8x128xf32, #tpu.memory_space<vmem>>
    %dma_wait3A_153 = tpu.memref_squeeze %dma_wait3A_152 : memref<1x4x1x8x128xf32, #tpu.memory_space<vmem>> -> memref<4x8x128xf32, #tpu.memory_space<vmem>>
    %dma_wait3A_154 = arith.constant 0 : i32
    %dma_wait3A_155 = arith.constant 0 : i32
    %dma_wait3A_156 = tpu.memref_slice %arg4[%dma_wait3A_146, %dma_wait3A_147, %mul3A_137, %dma_wait3A_154, %dma_wait3A_155] : memref<200x4x128x8x128xf32, #tpu.memory_space<hbm>> -> memref<1x1x4x8x128xf32, #tpu.memory_space<hbm>>
    %dma_wait3A_157 = tpu.memref_squeeze %dma_wait3A_156 : memref<1x1x4x8x128xf32, #tpu.memory_space<hbm>> -> memref<4x8x128xf32, #tpu.memory_space<hbm>>
    %dma_wait3A_158 = tpu.memref_slice %arg10[%dma_wait3A_148] : memref<2x!tpu.dma_semaphore, #tpu.memory_space<semaphore_mem>> -> memref<1x!tpu.dma_semaphore, #tpu.memory_space<semaphore_mem>>
    %dma_wait3A_159 = tpu.memref_squeeze %dma_wait3A_158 : memref<1x!tpu.dma_semaphore, #tpu.memory_space<semaphore_mem>> -> memref<!tpu.dma_semaphore, #tpu.memory_space<semaphore_mem>>
    %dma_wait3A_160 = arith.constant 0 : i32
    %dma_wait3A_161 = arith.constant 0 : i32
    %dma_wait3A_162 = tpu.memref_slice %arg4[%dma_wait3A_146, %dma_wait3A_147, %mul3A_137, %dma_wait3A_160, %dma_wait3A_161] : memref<200x4x128x8x128xf32, #tpu.memory_space<hbm>> -> memref<1x1x4x8x128xf32, #tpu.memory_space<hbm>>
    %dma_wait3A_163 = tpu.memref_squeeze %dma_wait3A_162 : memref<1x1x4x8x128xf32, #tpu.memory_space<hbm>> -> memref<4x8x128xf32, #tpu.memory_space<hbm>>
    %dma_wait3A_164 = arith.constant 0 : i32
    %dma_wait3A_165 = arith.constant 0 : i32
    %dma_wait3A_166 = arith.constant 0 : i32
    %dma_wait3A_167 = tpu.memref_slice %arg7[%dma_wait3A_144, %dma_wait3A_164, %dma_wait3A_145, %dma_wait3A_165, %dma_wait3A_166] : memref<2x4x4x8x129xf32, #tpu.memory_space<vmem>> -> memref<1x4x1x8x128xf32, #tpu.memory_space<vmem>>
    %dma_wait3A_168 = tpu.memref_squeeze %dma_wait3A_167 : memref<1x4x1x8x128xf32, #tpu.memory_space<vmem>> -> memref<4x8x128xf32, #tpu.memory_space<vmem>>
    tpu.wait_dma2 semaphore(%dma_wait3A_159 : memref<!tpu.dma_semaphore, #tpu.memory_space<semaphore_mem>>) src(%dma_wait3A_168 : memref<4x8x128xf32, #tpu.memory_space<vmem>>) dst(%dma_wait3A_163 : memref<4x8x128xf32, #tpu.memory_space<hbm>>)
    %dma_wait3A_169 = arith.constant 0 : i32
    %dma_wait3A_170 = arith.constant 1 : i32
    %dma_wait3A_171 = arith.constant 198 : i32
    %dma_wait3A_172 = arith.constant 1 : i32
    %dma_wait3A_173 = arith.constant 0 : i32
    %dma_wait3A_174 = arith.constant 0 : i32
    %dma_wait3A_175 = arith.constant 0 : i32
    %dma_wait3A_176 = arith.constant 0 : i32
    %dma_wait3A_177 = tpu.memref_slice %arg7[%dma_wait3A_169, %dma_wait3A_174, %dma_wait3A_170, %dma_wait3A_175, %dma_wait3A_176] : memref<2x4x4x8x129xf32, #tpu.memory_space<vmem>> -> memref<1x4x1x8x128xf32, #tpu.memory_space<vmem>>
    %dma_wait3A_178 = tpu.memref_squeeze %dma_wait3A_177 : memref<1x4x1x8x128xf32, #tpu.memory_space<vmem>> -> memref<4x8x128xf32, #tpu.memory_space<vmem>>
    %dma_wait3A_179 = arith.constant 0 : i32
    %dma_wait3A_180 = arith.constant 0 : i32
    %dma_wait3A_181 = tpu.memref_slice %arg4[%dma_wait3A_171, %dma_wait3A_172, %mul3A_139, %dma_wait3A_179, %dma_wait3A_180] : memref<200x4x128x8x128xf32, #tpu.memory_space<hbm>> -> memref<1x1x4x8x128xf32, #tpu.memory_space<hbm>>
    %dma_wait3A_182 = tpu.memref_squeeze %dma_wait3A_181 : memref<1x1x4x8x128xf32, #tpu.memory_space<hbm>> -> memref<4x8x128xf32, #tpu.memory_space<hbm>>
    %dma_wait3A_183 = tpu.memref_slice %arg10[%dma_wait3A_173] : memref<2x!tpu.dma_semaphore, #tpu.memory_space<semaphore_mem>> -> memref<1x!tpu.dma_semaphore, #tpu.memory_space<semaphore_mem>>
    %dma_wait3A_184 = tpu.memref_squeeze %dma_wait3A_183 : memref<1x!tpu.dma_semaphore, #tpu.memory_space<semaphore_mem>> -> memref<!tpu.dma_semaphore, #tpu.memory_space<semaphore_mem>>
    %dma_wait3A_185 = arith.constant 0 : i32
    %dma_wait3A_186 = arith.constant 0 : i32
    %dma_wait3A_187 = tpu.memref_slice %arg4[%dma_wait3A_171, %dma_wait3A_172, %mul3A_139, %dma_wait3A_185, %dma_wait3A_186] : memref<200x4x128x8x128xf32, #tpu.memory_space<hbm>> -> memref<1x1x4x8x128xf32, #tpu.memory_space<hbm>>
    %dma_wait3A_188 = tpu.memref_squeeze %dma_wait3A_187 : memref<1x1x4x8x128xf32, #tpu.memory_space<hbm>> -> memref<4x8x128xf32, #tpu.memory_space<hbm>>
    %dma_wait3A_189 = arith.constant 0 : i32
    %dma_wait3A_190 = arith.constant 0 : i32
    %dma_wait3A_191 = arith.constant 0 : i32
    %dma_wait3A_192 = tpu.memref_slice %arg7[%dma_wait3A_169, %dma_wait3A_189, %dma_wait3A_170, %dma_wait3A_190, %dma_wait3A_191] : memref<2x4x4x8x129xf32, #tpu.memory_space<vmem>> -> memref<1x4x1x8x128xf32, #tpu.memory_space<vmem>>
    %dma_wait3A_193 = tpu.memref_squeeze %dma_wait3A_192 : memref<1x4x1x8x128xf32, #tpu.memory_space<vmem>> -> memref<4x8x128xf32, #tpu.memory_space<vmem>>
    tpu.wait_dma2 semaphore(%dma_wait3A_184 : memref<!tpu.dma_semaphore, #tpu.memory_space<semaphore_mem>>) src(%dma_wait3A_193 : memref<4x8x128xf32, #tpu.memory_space<vmem>>) dst(%dma_wait3A_188 : memref<4x8x128xf32, #tpu.memory_space<hbm>>)
    %dma_wait3A_194 = arith.constant 0 : i32
    %dma_wait3A_195 = arith.constant 2 : i32
    %dma_wait3A_196 = arith.constant 198 : i32
    %dma_wait3A_197 = arith.constant 2 : i32
    %dma_wait3A_198 = arith.constant 0 : i32
    %dma_wait3A_199 = arith.constant 0 : i32
    %dma_wait3A_200 = arith.constant 0 : i32
    %dma_wait3A_201 = arith.constant 0 : i32
    %dma_wait3A_202 = tpu.memref_slice %arg7[%dma_wait3A_194, %dma_wait3A_199, %dma_wait3A_195, %dma_wait3A_200, %dma_wait3A_201] : memref<2x4x4x8x129xf32, #tpu.memory_space<vmem>> -> memref<1x4x1x8x128xf32, #tpu.memory_space<vmem>>
    %dma_wait3A_203 = tpu.memref_squeeze %dma_wait3A_202 : memref<1x4x1x8x128xf32, #tpu.memory_space<vmem>> -> memref<4x8x128xf32, #tpu.memory_space<vmem>>
    %dma_wait3A_204 = arith.constant 0 : i32
    %dma_wait3A_205 = arith.constant 0 : i32
    %dma_wait3A_206 = tpu.memref_slice %arg4[%dma_wait3A_196, %dma_wait3A_197, %mul3A_141, %dma_wait3A_204, %dma_wait3A_205] : memref<200x4x128x8x128xf32, #tpu.memory_space<hbm>> -> memref<1x1x4x8x128xf32, #tpu.memory_space<hbm>>
    %dma_wait3A_207 = tpu.memref_squeeze %dma_wait3A_206 : memref<1x1x4x8x128xf32, #tpu.memory_space<hbm>> -> memref<4x8x128xf32, #tpu.memory_space<hbm>>
    %dma_wait3A_208 = tpu.memref_slice %arg10[%dma_wait3A_198] : memref<2x!tpu.dma_semaphore, #tpu.memory_space<semaphore_mem>> -> memref<1x!tpu.dma_semaphore, #tpu.memory_space<semaphore_mem>>
    %dma_wait3A_209 = tpu.memref_squeeze %dma_wait3A_208 : memref<1x!tpu.dma_semaphore, #tpu.memory_space<semaphore_mem>> -> memref<!tpu.dma_semaphore, #tpu.memory_space<semaphore_mem>>
    %dma_wait3A_210 = arith.constant 0 : i32
    %dma_wait3A_211 = arith.constant 0 : i32
    %dma_wait3A_212 = tpu.memref_slice %arg4[%dma_wait3A_196, %dma_wait3A_197, %mul3A_141, %dma_wait3A_210, %dma_wait3A_211] : memref<200x4x128x8x128xf32, #tpu.memory_space<hbm>> -> memref<1x1x4x8x128xf32, #tpu.memory_space<hbm>>
    %dma_wait3A_213 = tpu.memref_squeeze %dma_wait3A_212 : memref<1x1x4x8x128xf32, #tpu.memory_space<hbm>> -> memref<4x8x128xf32, #tpu.memory_space<hbm>>
    %dma_wait3A_214 = arith.constant 0 : i32
    %dma_wait3A_215 = arith.constant 0 : i32
    %dma_wait3A_216 = arith.constant 0 : i32
    %dma_wait3A_217 = tpu.memref_slice %arg7[%dma_wait3A_194, %dma_wait3A_214, %dma_wait3A_195, %dma_wait3A_215, %dma_wait3A_216] : memref<2x4x4x8x129xf32, #tpu.memory_space<vmem>> -> memref<1x4x1x8x128xf32, #tpu.memory_space<vmem>>
    %dma_wait3A_218 = tpu.memref_squeeze %dma_wait3A_217 : memref<1x4x1x8x128xf32, #tpu.memory_space<vmem>> -> memref<4x8x128xf32, #tpu.memory_space<vmem>>
    tpu.wait_dma2 semaphore(%dma_wait3A_209 : memref<!tpu.dma_semaphore, #tpu.memory_space<semaphore_mem>>) src(%dma_wait3A_218 : memref<4x8x128xf32, #tpu.memory_space<vmem>>) dst(%dma_wait3A_213 : memref<4x8x128xf32, #tpu.memory_space<hbm>>)
    %dma_wait3A_219 = arith.constant 0 : i32
    %dma_wait3A_220 = arith.constant 3 : i32
    %dma_wait3A_221 = arith.constant 198 : i32
    %dma_wait3A_222 = arith.constant 3 : i32
    %dma_wait3A_223 = arith.constant 0 : i32
    %dma_wait3A_224 = arith.constant 0 : i32
    %dma_wait3A_225 = arith.constant 0 : i32
    %dma_wait3A_226 = arith.constant 0 : i32
    %dma_wait3A_227 = tpu.memref_slice %arg7[%dma_wait3A_219, %dma_wait3A_224, %dma_wait3A_220, %dma_wait3A_225, %dma_wait3A_226] : memref<2x4x4x8x129xf32, #tpu.memory_space<vmem>> -> memref<1x4x1x8x128xf32, #tpu.memory_space<vmem>>
    %dma_wait3A_228 = tpu.memref_squeeze %dma_wait3A_227 : memref<1x4x1x8x128xf32, #tpu.memory_space<vmem>> -> memref<4x8x128xf32, #tpu.memory_space<vmem>>
    %dma_wait3A_229 = arith.constant 0 : i32
    %dma_wait3A_230 = arith.constant 0 : i32
    %dma_wait3A_231 = tpu.memref_slice %arg4[%dma_wait3A_221, %dma_wait3A_222, %mul3A_143, %dma_wait3A_229, %dma_wait3A_230] : memref<200x4x128x8x128xf32, #tpu.memory_space<hbm>> -> memref<1x1x4x8x128xf32, #tpu.memory_space<hbm>>
    %dma_wait3A_232 = tpu.memref_squeeze %dma_wait3A_231 : memref<1x1x4x8x128xf32, #tpu.memory_space<hbm>> -> memref<4x8x128xf32, #tpu.memory_space<hbm>>
    %dma_wait3A_233 = tpu.memref_slice %arg10[%dma_wait3A_223] : memref<2x!tpu.dma_semaphore, #tpu.memory_space<semaphore_mem>> -> memref<1x!tpu.dma_semaphore, #tpu.memory_space<semaphore_mem>>
    %dma_wait3A_234 = tpu.memref_squeeze %dma_wait3A_233 : memref<1x!tpu.dma_semaphore, #tpu.memory_space<semaphore_mem>> -> memref<!tpu.dma_semaphore, #tpu.memory_space<semaphore_mem>>
    %dma_wait3A_235 = arith.constant 0 : i32
    %dma_wait3A_236 = arith.constant 0 : i32
    %dma_wait3A_237 = tpu.memref_slice %arg4[%dma_wait3A_221, %dma_wait3A_222, %mul3A_143, %dma_wait3A_235, %dma_wait3A_236] : memref<200x4x128x8x128xf32, #tpu.memory_space<hbm>> -> memref<1x1x4x8x128xf32, #tpu.memory_space<hbm>>
    %dma_wait3A_238 = tpu.memref_squeeze %dma_wait3A_237 : memref<1x1x4x8x128xf32, #tpu.memory_space<hbm>> -> memref<4x8x128xf32, #tpu.memory_space<hbm>>
    %dma_wait3A_239 = arith.constant 0 : i32
    %dma_wait3A_240 = arith.constant 0 : i32
    %dma_wait3A_241 = arith.constant 0 : i32
    %dma_wait3A_242 = tpu.memref_slice %arg7[%dma_wait3A_219, %dma_wait3A_239, %dma_wait3A_220, %dma_wait3A_240, %dma_wait3A_241] : memref<2x4x4x8x129xf32, #tpu.memory_space<vmem>> -> memref<1x4x1x8x128xf32, #tpu.memory_space<vmem>>
    %dma_wait3A_243 = tpu.memref_squeeze %dma_wait3A_242 : memref<1x4x1x8x128xf32, #tpu.memory_space<vmem>> -> memref<4x8x128xf32, #tpu.memory_space<vmem>>
    tpu.wait_dma2 semaphore(%dma_wait3A_234 : memref<!tpu.dma_semaphore, #tpu.memory_space<semaphore_mem>>) src(%dma_wait3A_243 : memref<4x8x128xf32, #tpu.memory_space<vmem>>) dst(%dma_wait3A_238 : memref<4x8x128xf32, #tpu.memory_space<hbm>>)
    %mul3A_244 = arith.constant 4 : i32
    %mul3A_245 = arith.muli %mul3A_244, %add3A : i32
    %mul3A_246 = arith.constant 4 : i32
    %mul3A_247 = arith.muli %mul3A_246, %add3A : i32
    %mul3A_248 = arith.constant 4 : i32
    %mul3A_249 = arith.muli %mul3A_248, %add3A : i32
    %mul3A_250 = arith.constant 4 : i32
    %mul3A_251 = arith.muli %mul3A_250, %add3A : i32
    %dma_wait3A_252 = arith.constant 1 : i32
    %dma_wait3A_253 = arith.constant 0 : i32
    %dma_wait3A_254 = arith.constant 199 : i32
    %dma_wait3A_255 = arith.constant 0 : i32
    %dma_wait3A_256 = arith.constant 1 : i32
    %dma_wait3A_257 = arith.constant 0 : i32
    %dma_wait3A_258 = arith.constant 0 : i32
    %dma_wait3A_259 = arith.constant 0 : i32
    %dma_wait3A_260 = tpu.memref_slice %arg7[%dma_wait3A_252, %dma_wait3A_257, %dma_wait3A_253, %dma_wait3A_258, %dma_wait3A_259] : memref<2x4x4x8x129xf32, #tpu.memory_space<vmem>> -> memref<1x4x1x8x128xf32, #tpu.memory_space<vmem>>
    %dma_wait3A_261 = tpu.memref_squeeze %dma_wait3A_260 : memref<1x4x1x8x128xf32, #tpu.memory_space<vmem>> -> memref<4x8x128xf32, #tpu.memory_space<vmem>>
    %dma_wait3A_262 = arith.constant 0 : i32
    %dma_wait3A_263 = arith.constant 0 : i32
    %dma_wait3A_264 = tpu.memref_slice %arg4[%dma_wait3A_254, %dma_wait3A_255, %mul3A_245, %dma_wait3A_262, %dma_wait3A_263] : memref<200x4x128x8x128xf32, #tpu.memory_space<hbm>> -> memref<1x1x4x8x128xf32, #tpu.memory_space<hbm>>
    %dma_wait3A_265 = tpu.memref_squeeze %dma_wait3A_264 : memref<1x1x4x8x128xf32, #tpu.memory_space<hbm>> -> memref<4x8x128xf32, #tpu.memory_space<hbm>>
    %dma_wait3A_266 = tpu.memref_slice %arg10[%dma_wait3A_256] : memref<2x!tpu.dma_semaphore, #tpu.memory_space<semaphore_mem>> -> memref<1x!tpu.dma_semaphore, #tpu.memory_space<semaphore_mem>>
    %dma_wait3A_267 = tpu.memref_squeeze %dma_wait3A_266 : memref<1x!tpu.dma_semaphore, #tpu.memory_space<semaphore_mem>> -> memref<!tpu.dma_semaphore, #tpu.memory_space<semaphore_mem>>
    %dma_wait3A_268 = arith.constant 0 : i32
    %dma_wait3A_269 = arith.constant 0 : i32
    %dma_wait3A_270 = tpu.memref_slice %arg4[%dma_wait3A_254, %dma_wait3A_255, %mul3A_245, %dma_wait3A_268, %dma_wait3A_269] : memref<200x4x128x8x128xf32, #tpu.memory_space<hbm>> -> memref<1x1x4x8x128xf32, #tpu.memory_space<hbm>>
    %dma_wait3A_271 = tpu.memref_squeeze %dma_wait3A_270 : memref<1x1x4x8x128xf32, #tpu.memory_space<hbm>> -> memref<4x8x128xf32, #tpu.memory_space<hbm>>
    %dma_wait3A_272 = arith.constant 0 : i32
    %dma_wait3A_273 = arith.constant 0 : i32
    %dma_wait3A_274 = arith.constant 0 : i32
    %dma_wait3A_275 = tpu.memref_slice %arg7[%dma_wait3A_252, %dma_wait3A_272, %dma_wait3A_253, %dma_wait3A_273, %dma_wait3A_274] : memref<2x4x4x8x129xf32, #tpu.memory_space<vmem>> -> memref<1x4x1x8x128xf32, #tpu.memory_space<vmem>>
    %dma_wait3A_276 = tpu.memref_squeeze %dma_wait3A_275 : memref<1x4x1x8x128xf32, #tpu.memory_space<vmem>> -> memref<4x8x128xf32, #tpu.memory_space<vmem>>
    tpu.wait_dma2 semaphore(%dma_wait3A_267 : memref<!tpu.dma_semaphore, #tpu.memory_space<semaphore_mem>>) src(%dma_wait3A_276 : memref<4x8x128xf32, #tpu.memory_space<vmem>>) dst(%dma_wait3A_271 : memref<4x8x128xf32, #tpu.memory_space<hbm>>)
    %dma_wait3A_277 = arith.constant 1 : i32
    %dma_wait3A_278 = arith.constant 1 : i32
    %dma_wait3A_279 = arith.constant 199 : i32
    %dma_wait3A_280 = arith.constant 1 : i32
    %dma_wait3A_281 = arith.constant 1 : i32
    %dma_wait3A_282 = arith.constant 0 : i32
    %dma_wait3A_283 = arith.constant 0 : i32
    %dma_wait3A_284 = arith.constant 0 : i32
    %dma_wait3A_285 = tpu.memref_slice %arg7[%dma_wait3A_277, %dma_wait3A_282, %dma_wait3A_278, %dma_wait3A_283, %dma_wait3A_284] : memref<2x4x4x8x129xf32, #tpu.memory_space<vmem>> -> memref<1x4x1x8x128xf32, #tpu.memory_space<vmem>>
    %dma_wait3A_286 = tpu.memref_squeeze %dma_wait3A_285 : memref<1x4x1x8x128xf32, #tpu.memory_space<vmem>> -> memref<4x8x128xf32, #tpu.memory_space<vmem>>
    %dma_wait3A_287 = arith.constant 0 : i32
    %dma_wait3A_288 = arith.constant 0 : i32
    %dma_wait3A_289 = tpu.memref_slice %arg4[%dma_wait3A_279, %dma_wait3A_280, %mul3A_247, %dma_wait3A_287, %dma_wait3A_288] : memref<200x4x128x8x128xf32, #tpu.memory_space<hbm>> -> memref<1x1x4x8x128xf32, #tpu.memory_space<hbm>>
    %dma_wait3A_290 = tpu.memref_squeeze %dma_wait3A_289 : memref<1x1x4x8x128xf32, #tpu.memory_space<hbm>> -> memref<4x8x128xf32, #tpu.memory_space<hbm>>
    %dma_wait3A_291 = tpu.memref_slice %arg10[%dma_wait3A_281] : memref<2x!tpu.dma_semaphore, #tpu.memory_space<semaphore_mem>> -> memref<1x!tpu.dma_semaphore, #tpu.memory_space<semaphore_mem>>
    %dma_wait3A_292 = tpu.memref_squeeze %dma_wait3A_291 : memref<1x!tpu.dma_semaphore, #tpu.memory_space<semaphore_mem>> -> memref<!tpu.dma_semaphore, #tpu.memory_space<semaphore_mem>>
    %dma_wait3A_293 = arith.constant 0 : i32
    %dma_wait3A_294 = arith.constant 0 : i32
    %dma_wait3A_295 = tpu.memref_slice %arg4[%dma_wait3A_279, %dma_wait3A_280, %mul3A_247, %dma_wait3A_293, %dma_wait3A_294] : memref<200x4x128x8x128xf32, #tpu.memory_space<hbm>> -> memref<1x1x4x8x128xf32, #tpu.memory_space<hbm>>
    %dma_wait3A_296 = tpu.memref_squeeze %dma_wait3A_295 : memref<1x1x4x8x128xf32, #tpu.memory_space<hbm>> -> memref<4x8x128xf32, #tpu.memory_space<hbm>>
    %dma_wait3A_297 = arith.constant 0 : i32
    %dma_wait3A_298 = arith.constant 0 : i32
    %dma_wait3A_299 = arith.constant 0 : i32
    %dma_wait3A_300 = tpu.memref_slice %arg7[%dma_wait3A_277, %dma_wait3A_297, %dma_wait3A_278, %dma_wait3A_298, %dma_wait3A_299] : memref<2x4x4x8x129xf32, #tpu.memory_space<vmem>> -> memref<1x4x1x8x128xf32, #tpu.memory_space<vmem>>
    %dma_wait3A_301 = tpu.memref_squeeze %dma_wait3A_300 : memref<1x4x1x8x128xf32, #tpu.memory_space<vmem>> -> memref<4x8x128xf32, #tpu.memory_space<vmem>>
    tpu.wait_dma2 semaphore(%dma_wait3A_292 : memref<!tpu.dma_semaphore, #tpu.memory_space<semaphore_mem>>) src(%dma_wait3A_301 : memref<4x8x128xf32, #tpu.memory_space<vmem>>) dst(%dma_wait3A_296 : memref<4x8x128xf32, #tpu.memory_space<hbm>>)
    %dma_wait3A_302 = arith.constant 1 : i32
    %dma_wait3A_303 = arith.constant 2 : i32
    %dma_wait3A_304 = arith.constant 199 : i32
    %dma_wait3A_305 = arith.constant 2 : i32
    %dma_wait3A_306 = arith.constant 1 : i32
    %dma_wait3A_307 = arith.constant 0 : i32
    %dma_wait3A_308 = arith.constant 0 : i32
    %dma_wait3A_309 = arith.constant 0 : i32
    %dma_wait3A_310 = tpu.memref_slice %arg7[%dma_wait3A_302, %dma_wait3A_307, %dma_wait3A_303, %dma_wait3A_308, %dma_wait3A_309] : memref<2x4x4x8x129xf32, #tpu.memory_space<vmem>> -> memref<1x4x1x8x128xf32, #tpu.memory_space<vmem>>
    %dma_wait3A_311 = tpu.memref_squeeze %dma_wait3A_310 : memref<1x4x1x8x128xf32, #tpu.memory_space<vmem>> -> memref<4x8x128xf32, #tpu.memory_space<vmem>>
    %dma_wait3A_312 = arith.constant 0 : i32
    %dma_wait3A_313 = arith.constant 0 : i32
    %dma_wait3A_314 = tpu.memref_slice %arg4[%dma_wait3A_304, %dma_wait3A_305, %mul3A_249, %dma_wait3A_312, %dma_wait3A_313] : memref<200x4x128x8x128xf32, #tpu.memory_space<hbm>> -> memref<1x1x4x8x128xf32, #tpu.memory_space<hbm>>
    %dma_wait3A_315 = tpu.memref_squeeze %dma_wait3A_314 : memref<1x1x4x8x128xf32, #tpu.memory_space<hbm>> -> memref<4x8x128xf32, #tpu.memory_space<hbm>>
    %dma_wait3A_316 = tpu.memref_slice %arg10[%dma_wait3A_306] : memref<2x!tpu.dma_semaphore, #tpu.memory_space<semaphore_mem>> -> memref<1x!tpu.dma_semaphore, #tpu.memory_space<semaphore_mem>>
    %dma_wait3A_317 = tpu.memref_squeeze %dma_wait3A_316 : memref<1x!tpu.dma_semaphore, #tpu.memory_space<semaphore_mem>> -> memref<!tpu.dma_semaphore, #tpu.memory_space<semaphore_mem>>
    %dma_wait3A_318 = arith.constant 0 : i32
    %dma_wait3A_319 = arith.constant 0 : i32
    %dma_wait3A_320 = tpu.memref_slice %arg4[%dma_wait3A_304, %dma_wait3A_305, %mul3A_249, %dma_wait3A_318, %dma_wait3A_319] : memref<200x4x128x8x128xf32, #tpu.memory_space<hbm>> -> memref<1x1x4x8x128xf32, #tpu.memory_space<hbm>>
    %dma_wait3A_321 = tpu.memref_squeeze %dma_wait3A_320 : memref<1x1x4x8x128xf32, #tpu.memory_space<hbm>> -> memref<4x8x128xf32, #tpu.memory_space<hbm>>
    %dma_wait3A_322 = arith.constant 0 : i32
    %dma_wait3A_323 = arith.constant 0 : i32
    %dma_wait3A_324 = arith.constant 0 : i32
    %dma_wait3A_325 = tpu.memref_slice %arg7[%dma_wait3A_302, %dma_wait3A_322, %dma_wait3A_303, %dma_wait3A_323, %dma_wait3A_324] : memref<2x4x4x8x129xf32, #tpu.memory_space<vmem>> -> memref<1x4x1x8x128xf32, #tpu.memory_space<vmem>>
    %dma_wait3A_326 = tpu.memref_squeeze %dma_wait3A_325 : memref<1x4x1x8x128xf32, #tpu.memory_space<vmem>> -> memref<4x8x128xf32, #tpu.memory_space<vmem>>
    tpu.wait_dma2 semaphore(%dma_wait3A_317 : memref<!tpu.dma_semaphore, #tpu.memory_space<semaphore_mem>>) src(%dma_wait3A_326 : memref<4x8x128xf32, #tpu.memory_space<vmem>>) dst(%dma_wait3A_321 : memref<4x8x128xf32, #tpu.memory_space<hbm>>)
    %dma_wait3A_327 = arith.constant 1 : i32
    %dma_wait3A_328 = arith.constant 3 : i32
    %dma_wait3A_329 = arith.constant 199 : i32
    %dma_wait3A_330 = arith.constant 3 : i32
    %dma_wait3A_331 = arith.constant 1 : i32
    %dma_wait3A_332 = arith.constant 0 : i32
    %dma_wait3A_333 = arith.constant 0 : i32
    %dma_wait3A_334 = arith.constant 0 : i32
    %dma_wait3A_335 = tpu.memref_slice %arg7[%dma_wait3A_327, %dma_wait3A_332, %dma_wait3A_328, %dma_wait3A_333, %dma_wait3A_334] : memref<2x4x4x8x129xf32, #tpu.memory_space<vmem>> -> memref<1x4x1x8x128xf32, #tpu.memory_space<vmem>>
    %dma_wait3A_336 = tpu.memref_squeeze %dma_wait3A_335 : memref<1x4x1x8x128xf32, #tpu.memory_space<vmem>> -> memref<4x8x128xf32, #tpu.memory_space<vmem>>
    %dma_wait3A_337 = arith.constant 0 : i32
    %dma_wait3A_338 = arith.constant 0 : i32
    %dma_wait3A_339 = tpu.memref_slice %arg4[%dma_wait3A_329, %dma_wait3A_330, %mul3A_251, %dma_wait3A_337, %dma_wait3A_338] : memref<200x4x128x8x128xf32, #tpu.memory_space<hbm>> -> memref<1x1x4x8x128xf32, #tpu.memory_space<hbm>>
    %dma_wait3A_340 = tpu.memref_squeeze %dma_wait3A_339 : memref<1x1x4x8x128xf32, #tpu.memory_space<hbm>> -> memref<4x8x128xf32, #tpu.memory_space<hbm>>
    %dma_wait3A_341 = tpu.memref_slice %arg10[%dma_wait3A_331] : memref<2x!tpu.dma_semaphore, #tpu.memory_space<semaphore_mem>> -> memref<1x!tpu.dma_semaphore, #tpu.memory_space<semaphore_mem>>
    %dma_wait3A_342 = tpu.memref_squeeze %dma_wait3A_341 : memref<1x!tpu.dma_semaphore, #tpu.memory_space<semaphore_mem>> -> memref<!tpu.dma_semaphore, #tpu.memory_space<semaphore_mem>>
    %dma_wait3A_343 = arith.constant 0 : i32
    %dma_wait3A_344 = arith.constant 0 : i32
    %dma_wait3A_345 = tpu.memref_slice %arg4[%dma_wait3A_329, %dma_wait3A_330, %mul3A_251, %dma_wait3A_343, %dma_wait3A_344] : memref<200x4x128x8x128xf32, #tpu.memory_space<hbm>> -> memref<1x1x4x8x128xf32, #tpu.memory_space<hbm>>
    %dma_wait3A_346 = tpu.memref_squeeze %dma_wait3A_345 : memref<1x1x4x8x128xf32, #tpu.memory_space<hbm>> -> memref<4x8x128xf32, #tpu.memory_space<hbm>>
    %dma_wait3A_347 = arith.constant 0 : i32
    %dma_wait3A_348 = arith.constant 0 : i32
    %dma_wait3A_349 = arith.constant 0 : i32
    %dma_wait3A_350 = tpu.memref_slice %arg7[%dma_wait3A_327, %dma_wait3A_347, %dma_wait3A_328, %dma_wait3A_348, %dma_wait3A_349] : memref<2x4x4x8x129xf32, #tpu.memory_space<vmem>> -> memref<1x4x1x8x128xf32, #tpu.memory_space<vmem>>
    %dma_wait3A_351 = tpu.memref_squeeze %dma_wait3A_350 : memref<1x4x1x8x128xf32, #tpu.memory_space<vmem>> -> memref<4x8x128xf32, #tpu.memory_space<vmem>>
    tpu.wait_dma2 semaphore(%dma_wait3A_342 : memref<!tpu.dma_semaphore, #tpu.memory_space<semaphore_mem>>) src(%dma_wait3A_351 : memref<4x8x128xf32, #tpu.memory_space<vmem>>) dst(%dma_wait3A_346 : memref<4x8x128xf32, #tpu.memory_space<hbm>>)
    return
  }
}

</mosaic_0001>

<sc_bundles>
// kernel: _embed_gather_t.3.cloned.1.call-start
scs
__scs_entry_jumppad:
0x0: {  	(pc) =	sbr.rel $0x88, $3  }
0x1: {  	(tag) =	ssettag $0x0;
	lr =	simm.s32 $0x1  }
0x2: {  	[smem:$0x3F9F] =	sst lr;
	_ =	strace $0xD0000000  }
0x3: {  	_ = 	snop  }
0x4: {  	_ = 	snop  }
0x5: {  	_ = 	snop  }
0x6: {  	_ = 	snop  }
0x7: {  	_ = 	snop  }
__scs_overlays_trampoline_lowered:
0x8: {  	[smem:$0x3FAE] =	sst s0  }
0x9: {  	[smem:$0x3FAF] =	sst s1  }
0xa: {  	[smem:$0x3FB0] =	sst s2  }
0xb: {  	[smem:$0x3FB1] =	sst s3  }
0xc: {  	[smem:$0x3FB2] =	sst s4  }
0xd: {  	[smem:$0x3FB3] =	sst s5  }
0xe: {  	[smem:$0x3FB4] =	sst s6  }
0xf: {  	[smem:$0x3FB5] =	sst s7  }
0x10: {  	[smem:$0x3FB6] =	sst s8  }
0x11: {  	[smem:$0x3FB7] =	sst s9;
	s0 =	simm.s32 @!p0 $0x0  }
0x12: {  	s1 =	sld [smem:$0x3F9D];
	s0 =	simm.s32 @p0 $0x1  }
0x13: {  	[smem:$0x3FB8] =	sst s0;
	s0 =	simm.s32 @!p1 $0x0  }
0x14: {  	s2 =	sld [smem:$0x3F9C];
	s0 =	simm.s32 @p1 $0x1  }
0x15: {  	[smem:$0x3FB9] =	sst s0;
	s0 =	simm.s32 @!p2 $0x0  }
0x16: {  	s3 =	sld [smem:$0x3FDB];
	s0 =	simm.s32 @p2 $0x1  }
0x17: {  	s4 =	simm.s32 $0x1BF5;
	[smem:$0x3FBB] =	sst s0  }
0x18: {  	s0 =	sld [smem:$0x3F9E];
	_ =	swait.ge [sflag:s4], $0x0  }
0x19: {  	s7 =	sld [smem:$0x3F9F]  }
0x1a: {  	s8 =	sadd.s32 $0xFFFFE003, lr  }
0x1b: {  	s9 =	sadd.s32 $0xFFFFFEF7, lr;
	s5 =	simm.s32 $0xFFFFFFFF;
	p2 =	slt.u32 s8, $0xFFFFF086  }
0x1c: {  	p1 =	slt.u32 s9, $0xF7A;
	s5 =	simm.s32 @!p2 $0x0  }
0x1d: {  	s5 =	simm.s32 @p1 $0x1;
	p0 =	seq.s32 s7, s2  }
0x1e: {  	s7 =	smul.u32 @!p0 $0xF7A, s2;
	p2 =	seq.s32 @!p0 s5, $0x0  }
0x1f: {  	s9 =	smul.u32 $0xF7A, s1;
	s8 =	simm.s32 @!p0 $0x1BF5;
	p2 =	por !p2, p0  }
0x20: {  	[sflag:s8] =	ssyncset.s32 @!p0 $0xFFFFF086;
	s6 =	sadd.s32 @!p0 s3, s7;
	s7 =	simm.s32 @!p0 $0x108  }
0x21: {  	s3 =	sadd.s32 s3, s9;
	s6 =	sadd.s32 @!p0 $0x88, s6;
	s7 =	simm.s32 @p2 $0x1082  }
0x22: {  	[simem:s7], [sflag:s8] =	dma.local @!p0 [hbm:s6], $0xF7A  }
0x23: {  	s9 =	sor.u32 $0xD0000000, s2;
	s6 =	simm.s32 $0x108;
	_ =	swait.ge @!p0 [sflag:s8], $0x0  }
0x24: {  	s3 =	sadd.s32 $0x88, s3;
	s6 =	simm.s32 @!p1 $0x1082;
	[sflag:s4] =	ssyncset.s32 $0xFFFFF086  }
0x25: {  	[simem:s6], [sflag:s4] =	dma.local [hbm:s3], $0xF7A  }
0x26: {  	[smem:$0x3F9F] =	sst s1;
	(tag) =	ssettag s2;
	_ =	strace s9  }
0x27: {  	s1 =	sld [smem:$0x3FAF]  }
0x28: {  	s2 =	sld [smem:$0x3FB0]  }
0x29: {  	s4 =	sld [smem:$0x3FB2]  }
0x2a: {  	p0 =	seq.s32 s5, $0x0;
	s5 =	sld [smem:$0x3FB3]  }
0x2b: {  	s6 =	sld [smem:$0x3FB4]  }
0x2c: {  	s7 =	sld [smem:$0x3FB5]  }
0x2d: {  	s3 =	simm.s32 $0x108;
	s8 =	sld [smem:$0x3FB6]  }
0x2e: {  	s3 =	simm.s32 @!p0 $0x1082;
	s9 =	sld [smem:$0x3FB7]  }
0x2f: {  	lr =	sadd.s32 s0, s3;
	s0 =	sld [smem:$0x3FAE]  }
0x30: {  	s3 =	sld [smem:$0x3FB1]  }
0x31: {  	[smem:$0x3FBA] =	sst s10  }
0x32: {  	s10 =	sld [smem:$0x3FB8];
	_ =	sdelay $0x3  }
0x33: {  	p0 =	seq.s32 s10, $0x1;
	s10 =	sld [smem:$0x3FBA];
	_ =	sdelay $0x3  }
0x34: {  	[smem:$0x3FBA] =	sst s10  }
0x35: {  	s10 =	sld [smem:$0x3FB9];
	_ =	sdelay $0x3  }
0x36: {  	p1 =	seq.s32 s10, $0x1;
	s10 =	sld [smem:$0x3FBA];
	_ =	sdelay $0x3  }
0x37: {  	[smem:$0x3FBA] =	sst s10  }
0x38: {  	s10 =	sld [smem:$0x3FBB]  }
0x39: {  	_ = 	snop;
	(pc) =	sbr.ind lr, $3  }
0x3a: {  	_ = 	snop  }
0x3b: {  	_ = 	snop  }
0x3c: {  	p2 =	seq.s32 s10, $0x1;
	s10 =	sld [smem:$0x3FBA]  }
0x3d: {  	_ =	shalt  }
0x3e: {  	_ =	shalt  }
0x3f: {  	_ =	shalt  }
0x40: {  	_ =	shalt  }
0x41: {  	_ =	shalt  }
0x42: {  	_ =	shalt  }
0x43: {  	_ =	shalt  }
0x44: {  	_ =	shalt  }
0x45: {  	_ =	shalt  }
0x46: {  	_ =	shalt  }
0x47: {  	_ =	shalt  }
0x48: {  	_ =	shalt  }
0x49: {  	_ =	shalt  }
0x4a: {  	_ =	shalt  }
0x4b: {  	_ =	shalt  }
0x4c: {  	_ =	shalt  }
0x4d: {  	_ =	shalt  }
0x4e: {  	_ =	shalt  }
0x4f: {  	_ =	shalt  }
0x50: {  	_ =	shalt  }
0x51: {  	_ =	shalt  }
0x52: {  	_ =	shalt  }
0x53: {  	_ =	shalt  }
0x54: {  	_ =	shalt  }
0x55: {  	_ =	shalt  }
0x56: {  	_ =	shalt  }
0x57: {  	_ =	shalt  }
0x58: {  	_ =	shalt  }
0x59: {  	_ =	shalt  }
0x5a: {  	_ =	shalt  }
0x5b: {  	_ =	shalt  }
0x5c: {  	_ =	shalt  }
0x5d: {  	_ =	shalt  }
0x5e: {  	_ =	shalt  }
0x5f: {  	_ =	shalt  }
0x60: {  	_ =	shalt  }
0x61: {  	_ =	shalt  }
0x62: {  	_ =	shalt  }
0x63: {  	_ =	shalt  }
0x64: {  	_ =	shalt  }
0x65: {  	_ =	shalt  }
0x66: {  	_ =	shalt  }
0x67: {  	_ =	shalt  }
0x68: {  	_ =	shalt  }
0x69: {  	_ =	shalt  }
0x6a: {  	_ =	shalt  }
0x6b: {  	_ =	shalt  }
0x6c: {  	_ =	shalt  }
0x6d: {  	_ =	shalt  }
0x6e: {  	_ =	shalt  }
0x6f: {  	_ =	shalt  }
0x70: {  	_ =	shalt  }
0x71: {  	_ =	shalt  }
0x72: {  	_ =	shalt  }
0x73: {  	_ =	shalt  }
0x74: {  	_ =	shalt  }
0x75: {  	_ =	shalt  }
0x76: {  	_ =	shalt  }
0x77: {  	_ =	shalt  }
0x78: {  	_ =	shalt  }
0x79: {  	_ =	shalt  }
0x7a: {  	_ =	shalt  }
0x7b: {  	_ =	shalt  }
0x7c: {  	_ =	shalt  }
0x7d: {  	_ =	shalt  }
0x7e: {  	_ =	shalt  }
0x7f: {  	_ =	shalt  }
0x80: {  	_ =	shalt  }
0x81: {  	_ =	shalt  }
0x82: {  	_ =	shalt  }
0x83: {  	_ =	shalt  }
0x84: {  	_ =	shalt  }
0x85: {  	_ =	shalt  }
0x86: {  	_ =	shalt  }
0x87: {  	_ =	shalt  }
.Lfunc_end0:
.L_simem_size_0:
called_computation_lowered:
.L_overlay_start_0:
0x88: {  	s2 =	sld [smem:$0x3FD9]  }
0x89: {  	s3 =	sld [smem:$0x3FFE];
	_ =	sdelay $0x1  }
0x8a: {  	s1 =	srdreg.scid  }
0x8b: {  	s0 =	sand.u32 $0x1, s1  }
0x8c: {  	s17 =	sshll.u32 s0, $0xA;
	s2 =	sadd.s32 s3, s2  }
0x8d: {  	s2 =	sadd.s32 s2, s17  }
0x8e: {  	[smem:$0x3FC6] =	sst s2  }
0x8f: {  	_ = 	snop  }
0x90: {  	s2 =	sld [smem:$0x3FC9]  }
0x91: {  	s18 =	sld [smem:$0x3FD0];
	(tm) =	ssettm $0x1  }
0x92: {  	s4 =	sld [smem:$0x3FFB];
	_ =	sdelay $0x3  }
0x93: {  	_ =	strace s4  }
0x94: {  	s4 =	sld [smem:$0x3FFC];
	_ =	sdelay $0x3  }
0x95: {  	_ =	strace s4  }
0x96: {  	s4 =	sld [smem:$0x3FFD];
	_ =	sdelay $0x3  }
0x97: {  	_ =	strace s4  }
0x98: {  	_ =	strace $0x8FFFFFFF  }
0x99: {  	s19 =	sld [smem:$0x3FDB];
	_ =	sdelay $0x1  }
0x9a: {  	s5 =	simm.s32 $_scs_section_size  }
0x9b: {  	s6 =	simm.s32 $_size__tile_overlayer_lowered;
	s7 =	simm.s32 $_tile_overlayer_lowered  }
0x9c: {  	s22 =	simm.s32 $0x1BFF;
	s21 =	sshll.u32 s7, $0x1;
	s4 =	sadd.s32 s5, s19  }
0x9d: {  	s8 =	simm.s32 $0x0;
	s20 =	sshll.u32 s6, $0x1;
	s6 =	sadd.s32 s21, s4  }
0x9e: {  	[timem:s8], [sflag:s22] =	dma.local [hbm:s6], s20  }
0x9f: {  	_ =	swait.ge [sflag:s22], s20  }
0xa0: {  	s5 =	ssub.s32 $0x0, s20;
	[sflag:s22] =	ssyncset.done $0x0  }
0xa1: {  	[sflag:s22] =	ssyncadd.s32 s5;
	_ =	sdelay $0x1  }
0xa2: {  	s23 =	simm.s32 $0x1B8B  }
0xa3: {  	_ =	swait.ge [sflag:s23], $0x1  }
0xa4: {  	[sflag:s23] =	ssyncset.done $0x0  }
0xa5: {  	s25 =	simm.s32 $0x1B8E;
	s24 =	sld [smem:$0x3FFE];
	[sflag:s23] =	ssyncadd.s32 $0xFFFFFFFF  }
0xa6: {  	s26 =	simm.s32 $execute0_lowered;
	[smem:$0x3FD2] =	sst s25  }
0xa7: {  	s6 =	sshll.u32 s26, $0x1;
	_ =	strace $0x80000046;
	[dreg:$0x1] =	wrdreg $0xFFFFFFFF  }
0xa8: {  	s28 =	simm.s32 $_size_execute0_lowered;
	s4 =	sadd.s32 s4, s6;
	[dreg:$0x0] =	wrdreg $0x0  }
0xa9: {  	s6 =	sshll.u32 s28, $0x1;
	[dreg:$0x2] =	wrdreg s4  }
0xaa: {  	[dreg:$0x3] =	wrdreg s6  }
0xab: {  	[dreg:$0x4] =	wrdreg $0xC0  }
0xac: {  	_ =	task [dreg:s8], $0x5FFFF  }
0xad: {  	[dreg:$0x1] =	wrdreg $0xFFFFFFFF  }
0xae: {  	[dreg:$0x0] =	wrdreg $0x60  }
0xaf: {  	[dreg:$0x2] =	wrdreg s2  }
0xb0: {  	[dreg:$0x3] =	wrdreg s24  }
0xb1: {  	[dreg:$0x4] =	wrdreg s18  }
0xb2: {  	[dreg:$0x5] =	wrdreg $0x9  }
0xb3: {  	_ =	task.clear_ibuf [dreg:s8], $0x6FFFF;
	_ =	strace $0x90000046  }
0xb4: {  	s29 =	simm.s32 $0x9;
	_ =	strace $0x80000048  }
0xb5: {  	_ =	swait.ge [sflag:s29], $0x1  }
0xb6: {  	[sflag:s29] =	ssyncadd.s32 $0xFFFFFFFF  }
0xb7: {  	_ =	strace $0x90000048  }
0xb8: {  	_ =	sfence  }
0xb9: {  	s30 =	sld [smem:$0x0];
	_ =	sdelay $0x2  }
0xba: {  	s31 =	sshll.u32 s1, $0xD;
	s1 =	sshrl.u32 s1, $0x2  }
0xbb: {  	s3 =	sand.u32 $0x4000, s31;
	s1 =	sadd.s32 s1, s30  }
0xbc: {  	s0 =	sor.u32 s3, s0;
	s1 =	sshll.u32 s1, $0x11  }
0xbd: {  	s0 =	sor.u32 s1, s0  }
0xbe: {  	s0 =	sadd.s32 $0x8F2B, s0  }
0xbf: {  	[sflag:s0] =	ssyncadd.remote.s32 $0x1  }
0xc0: {  	_ =	sfence.sel $0xFFFF  }
0xc1: {  	[dreg:$0x0] =	wrdreg $0xFFFFFFFF;
	(pc) =	sbr.abs _section_cstart, $3  }
0xc2: {  	[dreg:$0x1] =	wrdreg $0xFFFFFFFF  }
0xc3: {  	_ =	task.clear_ibuf [dreg:s8], $0x2FFFF;
	_ =	strace $0x9FFFFFFF  }
0xc4: {  	(tm) =	ssettm $0x7FFFFFFF  }
0xc5: {  	_ =	shalt  }
tec
execute0_lowered:
.L_overlay_start_1:
0x0: {  	(tag) =	ssettag $0x1  }
0x1: {  	s8 =	rddreg [dreg:$0x0]  }
0x2: {  	s0 =	rddreg [dreg:$0x1]  }
0x3: {  	s1 =	rddreg [dreg:$0x2];
	s3 =	simm.s32 $0x0  }
0x4: {  	s2 =	srdreg.scid;
	s6 =	stileid.u32;
	s14 =	simm.s32 $0x2  }
0x5: {  	s16 =	simm.s32 $0x3;
	s17 =	simm.s32 $0x4;
	s31 =	simm.s32 $0xF6C0  }
0x6: {  	s13 =	simm.s32 $0xF858;
	s9 =	simm.s32 $0xFA78;
	s11 =	simm.s32 $0x10848  }
0x7: {  	s12 =	simm.s32 $0x10958;
	s15 =	simm.s32 $0x109E0;
	s18 =	simm.s32 $0x10A68  }
0x8: {  	s19 =	simm.s32 $0x10AF0;
	s30 =	simm.s32 $0x200;
	[smem:$0x7FF] =	sst s3  }
0x9: {  	s4 =	sadd.s32 $0xF42800, s0;
	s20 =	sand.u32 $0x1, s2;
	s21 =	sshll.u32 s6, $0x7  }
0xa: {  	s6 =	sshll.u32 s6, $0xA;
	_ =	strace $0x80000047;
	s5 =	sshll.u32 s20, $0x6  }
0xb: {  	s7 =	sshll.u32 s20, $0x9;
	s0 =	ssub.s32 $0x2, s20;
	s20 =	simm.s32 $0x10B78  }
0xc: {  	s2 =	sor.u32 s5, s21;
	s22 =	sor.u32 s7, s6;
	s23 =	sshrl.u32 s0, $0x1  }
0xd: {  	s6 =	simm.s32 $0xF8E0;
	s7 =	simm.s32 $0xF968;
	s5 =	simm.s32 $0x107C0  }
0xe: {  	s21 =	simm.s32 $0x5;
	s24 =	sadd.s32 s8, s2;
	s25 =	sor.u32 $0xC000, s22  }
0xf: {  	s0 =	ssub.s32 s0, s23;
	s29 =	sor.u32 $0x8000, s22;
	s10 =	sadd.s32 s1, s22  }
.Ltmp0:
0x10: {  	s1 =	simm.s32 $0x108D0;
	[dreg:$0x4] =	wrdreg s24;
	(pc) =	sbr.rel .LBB2_1-.Ltmp0, $4  }
0x11: {  	s26 =	sadd.s32 $0x800, s24;
	s2 =	sshrl.u32 s25, $0x3;
	[dreg:$0x8] =	wrdreg s29  }
0x12: {  	s0 =	smax.u32 s0, $0x1;
	s24 =	simm.s32 $0x0;
	[dreg:$0x5] =	wrdreg s26  }
0x13: {  	[dreg:$0x6] =	wrdreg s0;
	s28 =	sadd.s32 s2, s8;
	s0 =	simm.s32 $0xF748  }
0x14: {  	s2 =	simm.s32 $0xF7D0;
	s8 =	simm.s32 $0xF9F0;
	[dreg:$0x7] =	wrdreg s28  }
.LBB2_6:
0x15: {  	_ =	swait.ge [sflag:s21], $0x1000  }
0x16: {  	[sflag:s21] =	ssyncset.done $0x0  }
0x17: {  	[sflag:s21] =	ssyncadd.s32 $0xFFFFF000  }
0x18: {  	_ =	swait.ge [sflag:s21], $0x1000  }
0x19: {  	[sflag:s21] =	ssyncset.done $0x0  }
0x1a: {  	[sflag:s21] =	ssyncadd.s32 $0xFFFFF000  }
0x1b: {  	_ =	swait.ge [sflag:s21], $0x1000  }
0x1c: {  	[sflag:s21] =	ssyncset.done $0x0  }
0x1d: {  	[sflag:s21] =	ssyncadd.s32 $0xFFFFF000  }
0x1e: {  	_ =	swait.ge [sflag:s21], $0x1000  }
0x1f: {  	[sflag:s21] =	ssyncset.done $0x0  }
0x20: {  	s23 =	simm.s32 $0x6;
	[sflag:s21] =	ssyncadd.s32 $0xFFFFF000  }
0x21: {  	_ =	swait.ge [sflag:s23], $0x1000  }
0x22: {  	[sflag:s23] =	ssyncset.done $0x0  }
0x23: {  	[sflag:s23] =	ssyncadd.s32 $0xFFFFF000  }
0x24: {  	_ =	swait.ge [sflag:s23], $0x1000  }
0x25: {  	[sflag:s23] =	ssyncset.done $0x0  }
0x26: {  	[sflag:s23] =	ssyncadd.s32 $0xFFFFF000  }
0x27: {  	_ =	swait.ge [sflag:s23], $0x1000  }
0x28: {  	[sflag:s23] =	ssyncset.done $0x0  }
0x29: {  	[sflag:s23] =	ssyncadd.s32 $0xFFFFF000  }
0x2a: {  	_ =	swait.ge [sflag:s23], $0x1000  }
0x2b: {  	s24 =	rddreg [dreg:$0x9]  }
0x2c: {  	s22 =	rddreg [dreg:$0x6];
	s24 =	sadd.s32 $0x1, s24  }
0x2d: {  	p0 =	sne.s32 s24, s22  }
.Ltmp1:
0x2e: {  	_ = 	snop;
	(pc) =	sbr.rel @!p0 .LBB2_7-.Ltmp1, $3  }
0x2f: {  	_ =	sdelay $0x1  }
0x30: {  	[sflag:s23] =	ssyncset.done $0x0  }
0x31: {  	[sflag:s23] =	ssyncadd.s32 $0xFFFFF000  }
.LBB2_1:
0x32: {  	[dreg:$0x9] =	wrdreg s24  }
0x33: {  	s22 =	rddreg [dreg:$0x4];
	s26 =	simm.s32 $0x1  }
0x34: {  	[tilespmem:s3], [sflag:$0x1] =	stream.linear.gather [hbm4b:s22+s3], $0x200, $0x38;
	[tilespmem:$0x10C00] =	vst v63  }
0x35: {  	_ =	swait.ge [sflag:s26], $0x200  }
0x36: {  	s23 =	simm.s32 $0x200;
	s28 =	simm.s32 $0x400;
	[sflag:s26] =	ssyncset.done $0x0  }
.Ltmp2:
0x37: {  	s29 =	rddreg [dreg:$0x5];
	[sflag:s26] =	ssyncadd.s32 $0xFFFFFE00;
	(pc) =	sbr.rel .LBB2_2-.Ltmp2, $4  }
0x38: {  	[tilespmem:s28], [sflag:$0x3] =	stream.indirect.gather [hbm4b:s4+s23], $0x20, s3, s23, $0xb8;
	[tilespmem:$0x10C00] =	vst v63  }
0x39: {  	s24 =	rddreg [dreg:$0x7]  }
0x3a: {  	[tilespmem:s23], [sflag:$0x2] =	stream.linear.gather [hbm4b:s29+s3], $0x200, $0x38;
	[tilespmem:$0x10C00] =	vst v63  }
0x3b: {  	s22 =	simm.s32 $0x0;
	s23 =	rddreg [dreg:$0x8]  }
.LBB2_4:
0x3c: {  	_ =	swait.ge [sflag:s21], $0x1000  }
0x3d: {  	[sflag:s21] =	ssyncset.done $0x0  }
0x3e: {  	[sflag:s21] =	ssyncadd.s32 $0xFFFFF000  }
0x3f: {  	_ =	swait.ge [sflag:s21], $0x1000  }
0x40: {  	[sflag:s21] =	ssyncset.done $0x0  }
0x41: {  	[sflag:s21] =	ssyncadd.s32 $0xFFFFF000  }
0x42: {  	_ =	swait.ge [sflag:s21], $0x1000  }
0x43: {  	[sflag:s21] =	ssyncset.done $0x0  }
0x44: {  	[sflag:s21] =	ssyncadd.s32 $0xFFFFF000  }
0x45: {  	_ =	swait.ge [sflag:s21], $0x1000  }
0x46: {  	[sflag:s21] =	ssyncset.done $0x0  }
0x47: {  	p1 =	por $0x0, $0x0;
	[sflag:s21] =	ssyncadd.s32 $0xFFFFF000  }
.LBB2_5:
0x48: {  	s25 =	sadd.s32 s22, s10;
	s28 =	simm.s32 $0x8400  }
0x49: {  	[hbm4b:s25+s3] =	stream.linear.scatter [tilespmem:s28], [sflag:$0x5], $0x80, $0x38;
	[tilespmem:$0x10C00] =	vst v63  }
0x4a: {  	s29 =	simm.s32 $0x8488;
	s28 =	sadd.s32 $0x10, s25  }
0x4b: {  	[hbm4b:s28+s3] =	stream.linear.scatter [tilespmem:s29], [sflag:$0x5], $0x80, $0x38;
	[tilespmem:$0x10C00] =	vst v63  }
0x4c: {  	s28 =	sadd.s32 $0x20, s25;
	s29 =	simm.s32 $0x8510  }
0x4d: {  	[hbm4b:s28+s3] =	stream.linear.scatter [tilespmem:s29], [sflag:$0x5], $0x80, $0x38;
	[tilespmem:$0x10C00] =	vst v63  }
0x4e: {  	s28 =	sadd.s32 $0x30, s25;
	s29 =	simm.s32 $0x8598  }
0x4f: {  	[hbm4b:s28+s3] =	stream.linear.scatter [tilespmem:s29], [sflag:$0x5], $0x80, $0x38;
	[tilespmem:$0x10C00] =	vst v63  }
0x50: {  	s28 =	sadd.s32 $0x40, s25;
	s29 =	simm.s32 $0x8620  }
0x51: {  	[hbm4b:s28+s3] =	stream.linear.scatter [tilespmem:s29], [sflag:$0x5], $0x80, $0x38;
	[tilespmem:$0x10C00] =	vst v63  }
0x52: {  	s28 =	sadd.s32 $0x50, s25;
	s29 =	simm.s32 $0x86A8  }
0x53: {  	[hbm4b:s28+s3] =	stream.linear.scatter [tilespmem:s29], [sflag:$0x5], $0x80, $0x38;
	[tilespmem:$0x10C00] =	vst v63  }
0x54: {  	s28 =	sadd.s32 $0x60, s25;
	s29 =	simm.s32 $0x8730  }
0x55: {  	[hbm4b:s28+s3] =	stream.linear.scatter [tilespmem:s29], [sflag:$0x5], $0x80, $0x38;
	[tilespmem:$0x10C00] =	vst v63  }
0x56: {  	s28 =	sadd.s32 $0x70, s25;
	s29 =	simm.s32 $0x87B8  }
0x57: {  	[hbm4b:s28+s3] =	stream.linear.scatter [tilespmem:s29], [sflag:$0x5], $0x80, $0x38;
	[tilespmem:$0x10C00] =	vst v63  }
0x58: {  	s28 =	sadd.s32 $0x80, s25;
	s29 =	simm.s32 $0x9500  }
0x59: {  	[hbm4b:s28+s3] =	stream.linear.scatter [tilespmem:s29], [sflag:$0x5], $0x80, $0x38;
	[tilespmem:$0x10C00] =	vst v63  }
0x5a: {  	s28 =	sadd.s32 $0x90, s25;
	s29 =	simm.s32 $0x9588  }
0x5b: {  	[hbm4b:s28+s3] =	stream.linear.scatter [tilespmem:s29], [sflag:$0x5], $0x80, $0x38;
	[tilespmem:$0x10C00] =	vst v63  }
0x5c: {  	s28 =	sadd.s32 $0xA0, s25;
	s29 =	simm.s32 $0x9610  }
0x5d: {  	[hbm4b:s28+s3] =	stream.linear.scatter [tilespmem:s29], [sflag:$0x5], $0x80, $0x38;
	[tilespmem:$0x10C00] =	vst v63  }
0x5e: {  	s28 =	sadd.s32 $0xB0, s25;
	s29 =	simm.s32 $0x9698  }
0x5f: {  	[hbm4b:s28+s3] =	stream.linear.scatter [tilespmem:s29], [sflag:$0x5], $0x80, $0x38;
	[tilespmem:$0x10C00] =	vst v63  }
0x60: {  	s28 =	sadd.s32 $0xC0, s25;
	s29 =	simm.s32 $0x9720  }
0x61: {  	[hbm4b:s28+s3] =	stream.linear.scatter [tilespmem:s29], [sflag:$0x5], $0x80, $0x38;
	[tilespmem:$0x10C00] =	vst v63  }
0x62: {  	s28 =	sadd.s32 $0xD0, s25;
	s29 =	simm.s32 $0x97A8  }
0x63: {  	[hbm4b:s28+s3] =	stream.linear.scatter [tilespmem:s29], [sflag:$0x5], $0x80, $0x38;
	[tilespmem:$0x10C00] =	vst v63  }
0x64: {  	s28 =	sadd.s32 $0xE0, s25;
	s29 =	simm.s32 $0x9830  }
0x65: {  	[hbm4b:s28+s3] =	stream.linear.scatter [tilespmem:s29], [sflag:$0x5], $0x80, $0x38;
	[tilespmem:$0x10C00] =	vst v63  }
0x66: {  	s28 =	sadd.s32 $0xF0, s25;
	s29 =	simm.s32 $0x98B8  }
0x67: {  	[hbm4b:s28+s3] =	stream.linear.scatter [tilespmem:s29], [sflag:$0x5], $0x80, $0x38;
	[tilespmem:$0x10C00] =	vst v63  }
0x68: {  	s28 =	sadd.s32 $0x100, s25;
	s29 =	simm.s32 $0xA600  }
0x69: {  	[hbm4b:s28+s3] =	stream.linear.scatter [tilespmem:s29], [sflag:$0x5], $0x80, $0x38;
	[tilespmem:$0x10C00] =	vst v63  }
0x6a: {  	s28 =	sadd.s32 $0x110, s25;
	s29 =	simm.s32 $0xA688  }
0x6b: {  	[hbm4b:s28+s3] =	stream.linear.scatter [tilespmem:s29], [sflag:$0x5], $0x80, $0x38;
	[tilespmem:$0x10C00] =	vst v63  }
0x6c: {  	s28 =	sadd.s32 $0x120, s25;
	s29 =	simm.s32 $0xA710  }
0x6d: {  	[hbm4b:s28+s3] =	stream.linear.scatter [tilespmem:s29], [sflag:$0x5], $0x80, $0x38;
	[tilespmem:$0x10C00] =	vst v63  }
0x6e: {  	s28 =	sadd.s32 $0x130, s25;
	s29 =	simm.s32 $0xA798  }
0x6f: {  	[hbm4b:s28+s3] =	stream.linear.scatter [tilespmem:s29], [sflag:$0x5], $0x80, $0x38;
	[tilespmem:$0x10C00] =	vst v63  }
0x70: {  	s28 =	sadd.s32 $0x140, s25;
	s29 =	simm.s32 $0xA820  }
0x71: {  	[hbm4b:s28+s3] =	stream.linear.scatter [tilespmem:s29], [sflag:$0x5], $0x80, $0x38;
	[tilespmem:$0x10C00] =	vst v63  }
0x72: {  	s28 =	sadd.s32 $0x150, s25;
	s29 =	simm.s32 $0xA8A8  }
0x73: {  	[hbm4b:s28+s3] =	stream.linear.scatter [tilespmem:s29], [sflag:$0x5], $0x80, $0x38;
	[tilespmem:$0x10C00] =	vst v63  }
0x74: {  	s28 =	sadd.s32 $0x160, s25;
	s29 =	simm.s32 $0xA930  }
0x75: {  	[hbm4b:s28+s3] =	stream.linear.scatter [tilespmem:s29], [sflag:$0x5], $0x80, $0x38;
	[tilespmem:$0x10C00] =	vst v63  }
0x76: {  	s28 =	sadd.s32 $0x170, s25;
	s29 =	simm.s32 $0xA9B8  }
0x77: {  	[hbm4b:s28+s3] =	stream.linear.scatter [tilespmem:s29], [sflag:$0x5], $0x80, $0x38;
	[tilespmem:$0x10C00] =	vst v63  }
0x78: {  	s28 =	sadd.s32 $0x180, s25;
	s29 =	simm.s32 $0xB700  }
0x79: {  	[hbm4b:s28+s3] =	stream.linear.scatter [tilespmem:s29], [sflag:$0x5], $0x80, $0x38;
	[tilespmem:$0x10C00] =	vst v63  }
0x7a: {  	s28 =	sadd.s32 $0x190, s25;
	s29 =	simm.s32 $0xB788  }
0x7b: {  	[hbm4b:s28+s3] =	stream.linear.scatter [tilespmem:s29], [sflag:$0x5], $0x80, $0x38;
	[tilespmem:$0x10C00] =	vst v63  }
0x7c: {  	s28 =	sadd.s32 $0x1A0, s25;
	s29 =	simm.s32 $0xB810  }
0x7d: {  	[hbm4b:s28+s3] =	stream.linear.scatter [tilespmem:s29], [sflag:$0x5], $0x80, $0x38;
	[tilespmem:$0x10C00] =	vst v63  }
0x7e: {  	s28 =	sadd.s32 $0x1B0, s25;
	s29 =	simm.s32 $0xB898  }
0x7f: {  	[hbm4b:s28+s3] =	stream.linear.scatter [tilespmem:s29], [sflag:$0x5], $0x80, $0x38;
	[tilespmem:$0x10C00] =	vst v63  }
0x80: {  	s28 =	sadd.s32 $0x1C0, s25;
	s29 =	simm.s32 $0xB920  }
0x81: {  	[hbm4b:s28+s3] =	stream.linear.scatter [tilespmem:s29], [sflag:$0x5], $0x80, $0x38;
	[tilespmem:$0x10C00] =	vst v63  }
0x82: {  	s28 =	sadd.s32 $0x1D0, s25;
	s29 =	simm.s32 $0xB9A8  }
0x83: {  	[hbm4b:s28+s3] =	stream.linear.scatter [tilespmem:s29], [sflag:$0x5], $0x80, $0x38;
	[tilespmem:$0x10C00] =	vst v63  }
0x84: {  	s28 =	sadd.s32 $0x1E0, s25;
	s29 =	simm.s32 $0xBA30  }
0x85: {  	[hbm4b:s28+s3] =	stream.linear.scatter [tilespmem:s29], [sflag:$0x5], $0x80, $0x38;
	[tilespmem:$0x10C00] =	vst v63  }
0x86: {  	s28 =	sadd.s32 $0x1F0, s25;
	s29 =	simm.s32 $0xBAB8  }
0x87: {  	[hbm4b:s28+s3] =	stream.linear.scatter [tilespmem:s29], [sflag:$0x5], $0x80, $0x38;
	[tilespmem:$0x10C00] =	vst v63  }
0x88: {  	s28 =	sadd.s32 $0x4000, s25;
	s29 =	simm.s32 $0x8840  }
0x89: {  	[hbm4b:s28+s3] =	stream.linear.scatter [tilespmem:s29], [sflag:$0x5], $0x80, $0x38;
	[tilespmem:$0x10C00] =	vst v63  }
0x8a: {  	s28 =	sadd.s32 $0x4010, s25;
	s29 =	simm.s32 $0x88C8  }
0x8b: {  	[hbm4b:s28+s3] =	stream.linear.scatter [tilespmem:s29], [sflag:$0x5], $0x80, $0x38;
	[tilespmem:$0x10C00] =	vst v63  }
0x8c: {  	s28 =	sadd.s32 $0x4020, s25;
	s29 =	simm.s32 $0x8950  }
0x8d: {  	[hbm4b:s28+s3] =	stream.linear.scatter [tilespmem:s29], [sflag:$0x5], $0x80, $0x38;
	[tilespmem:$0x10C00] =	vst v63  }
0x8e: {  	s28 =	sadd.s32 $0x4030, s25;
	s29 =	simm.s32 $0x89D8  }
0x8f: {  	[hbm4b:s28+s3] =	stream.linear.scatter [tilespmem:s29], [sflag:$0x5], $0x80, $0x38;
	[tilespmem:$0x10C00] =	vst v63  }
0x90: {  	s28 =	sadd.s32 $0x4040, s25;
	s29 =	simm.s32 $0x8A60  }
0x91: {  	[hbm4b:s28+s3] =	stream.linear.scatter [tilespmem:s29], [sflag:$0x5], $0x80, $0x38;
	[tilespmem:$0x10C00] =	vst v63  }
0x92: {  	s28 =	sadd.s32 $0x4050, s25;
	s29 =	simm.s32 $0x8AE8  }
0x93: {  	[hbm4b:s28+s3] =	stream.linear.scatter [tilespmem:s29], [sflag:$0x5], $0x80, $0x38;
	[tilespmem:$0x10C00] =	vst v63  }
0x94: {  	s28 =	sadd.s32 $0x4060, s25;
	s29 =	simm.s32 $0x8B70  }
0x95: {  	[hbm4b:s28+s3] =	stream.linear.scatter [tilespmem:s29], [sflag:$0x5], $0x80, $0x38;
	[tilespmem:$0x10C00] =	vst v63  }
0x96: {  	s28 =	sadd.s32 $0x4070, s25;
	s29 =	simm.s32 $0x8BF8  }
0x97: {  	[hbm4b:s28+s3] =	stream.linear.scatter [tilespmem:s29], [sflag:$0x5], $0x80, $0x38;
	[tilespmem:$0x10C00] =	vst v63  }
0x98: {  	s28 =	sadd.s32 $0x4080, s25;
	s29 =	simm.s32 $0x9940  }
0x99: {  	[hbm4b:s28+s3] =	stream.linear.scatter [tilespmem:s29], [sflag:$0x5], $0x80, $0x38;
	[tilespmem:$0x10C00] =	vst v63  }
0x9a: {  	s28 =	sadd.s32 $0x4090, s25;
	s29 =	simm.s32 $0x99C8  }
0x9b: {  	[hbm4b:s28+s3] =	stream.linear.scatter [tilespmem:s29], [sflag:$0x5], $0x80, $0x38;
	[tilespmem:$0x10C00] =	vst v63  }
0x9c: {  	s28 =	sadd.s32 $0x40A0, s25;
	s29 =	simm.s32 $0x9A50  }
0x9d: {  	[hbm4b:s28+s3] =	stream.linear.scatter [tilespmem:s29], [sflag:$0x5], $0x80, $0x38;
	[tilespmem:$0x10C00] =	vst v63  }
0x9e: {  	s28 =	sadd.s32 $0x40B0, s25;
	s29 =	simm.s32 $0x9AD8  }
0x9f: {  	[hbm4b:s28+s3] =	stream.linear.scatter [tilespmem:s29], [sflag:$0x5], $0x80, $0x38;
	[tilespmem:$0x10C00] =	vst v63  }
0xa0: {  	s28 =	sadd.s32 $0x40C0, s25;
	s29 =	simm.s32 $0x9B60  }
0xa1: {  	[hbm4b:s28+s3] =	stream.linear.scatter [tilespmem:s29], [sflag:$0x5], $0x80, $0x38;
	[tilespmem:$0x10C00] =	vst v63  }
0xa2: {  	s28 =	sadd.s32 $0x40D0, s25;
	s29 =	simm.s32 $0x9BE8  }
0xa3: {  	[hbm4b:s28+s3] =	stream.linear.scatter [tilespmem:s29], [sflag:$0x5], $0x80, $0x38;
	[tilespmem:$0x10C00] =	vst v63  }
0xa4: {  	s28 =	sadd.s32 $0x40E0, s25;
	s29 =	simm.s32 $0x9C70  }
0xa5: {  	[hbm4b:s28+s3] =	stream.linear.scatter [tilespmem:s29], [sflag:$0x5], $0x80, $0x38;
	[tilespmem:$0x10C00] =	vst v63  }
0xa6: {  	s28 =	sadd.s32 $0x40F0, s25;
	s29 =	simm.s32 $0x9CF8  }
0xa7: {  	[hbm4b:s28+s3] =	stream.linear.scatter [tilespmem:s29], [sflag:$0x5], $0x80, $0x38;
	[tilespmem:$0x10C00] =	vst v63  }
0xa8: {  	s28 =	sadd.s32 $0x4100, s25;
	s29 =	simm.s32 $0xAA40  }
0xa9: {  	[hbm4b:s28+s3] =	stream.linear.scatter [tilespmem:s29], [sflag:$0x5], $0x80, $0x38;
	[tilespmem:$0x10C00] =	vst v63  }
0xaa: {  	s28 =	sadd.s32 $0x4110, s25;
	s29 =	simm.s32 $0xAAC8  }
0xab: {  	[hbm4b:s28+s3] =	stream.linear.scatter [tilespmem:s29], [sflag:$0x5], $0x80, $0x38;
	[tilespmem:$0x10C00] =	vst v63  }
0xac: {  	s28 =	sadd.s32 $0x4120, s25;
	s29 =	simm.s32 $0xAB50  }
0xad: {  	[hbm4b:s28+s3] =	stream.linear.scatter [tilespmem:s29], [sflag:$0x5], $0x80, $0x38;
	[tilespmem:$0x10C00] =	vst v63  }
0xae: {  	s28 =	sadd.s32 $0x4130, s25;
	s29 =	simm.s32 $0xABD8  }
0xaf: {  	[hbm4b:s28+s3] =	stream.linear.scatter [tilespmem:s29], [sflag:$0x5], $0x80, $0x38;
	[tilespmem:$0x10C00] =	vst v63  }
0xb0: {  	s28 =	sadd.s32 $0x4140, s25;
	s29 =	simm.s32 $0xAC60  }
0xb1: {  	[hbm4b:s28+s3] =	stream.linear.scatter [tilespmem:s29], [sflag:$0x5], $0x80, $0x38;
	[tilespmem:$0x10C00] =	vst v63  }
0xb2: {  	s28 =	sadd.s32 $0x4150, s25;
	s29 =	simm.s32 $0xACE8  }
0xb3: {  	[hbm4b:s28+s3] =	stream.linear.scatter [tilespmem:s29], [sflag:$0x5], $0x80, $0x38;
	[tilespmem:$0x10C00] =	vst v63  }
0xb4: {  	s28 =	sadd.s32 $0x4160, s25;
	s29 =	simm.s32 $0xAD70  }
0xb5: {  	[hbm4b:s28+s3] =	stream.linear.scatter [tilespmem:s29], [sflag:$0x5], $0x80, $0x38;
	[tilespmem:$0x10C00] =	vst v63  }
0xb6: {  	s28 =	sadd.s32 $0x4170, s25;
	s29 =	simm.s32 $0xADF8  }
0xb7: {  	[hbm4b:s28+s3] =	stream.linear.scatter [tilespmem:s29], [sflag:$0x5], $0x80, $0x38;
	[tilespmem:$0x10C00] =	vst v63  }
0xb8: {  	s28 =	sadd.s32 $0x4180, s25;
	s29 =	simm.s32 $0xBB40  }
0xb9: {  	[hbm4b:s28+s3] =	stream.linear.scatter [tilespmem:s29], [sflag:$0x5], $0x80, $0x38;
	[tilespmem:$0x10C00] =	vst v63  }
0xba: {  	s28 =	sadd.s32 $0x4190, s25;
	s29 =	simm.s32 $0xBBC8  }
0xbb: {  	[hbm4b:s28+s3] =	stream.linear.scatter [tilespmem:s29], [sflag:$0x5], $0x80, $0x38;
	[tilespmem:$0x10C00] =	vst v63  }
0xbc: {  	s28 =	sadd.s32 $0x41A0, s25;
	s29 =	simm.s32 $0xBC50  }
0xbd: {  	[hbm4b:s28+s3] =	stream.linear.scatter [tilespmem:s29], [sflag:$0x5], $0x80, $0x38;
	[tilespmem:$0x10C00] =	vst v63  }
0xbe: {  	s28 =	sadd.s32 $0x41B0, s25;
	s29 =	simm.s32 $0xBCD8  }
0xbf: {  	[hbm4b:s28+s3] =	stream.linear.scatter [tilespmem:s29], [sflag:$0x5], $0x80, $0x38;
	[tilespmem:$0x10C00] =	vst v63  }
0xc0: {  	s28 =	sadd.s32 $0x41C0, s25;
	s29 =	simm.s32 $0xBD60  }
0xc1: {  	[hbm4b:s28+s3] =	stream.linear.scatter [tilespmem:s29], [sflag:$0x5], $0x80, $0x38;
	[tilespmem:$0x10C00] =	vst v63  }
0xc2: {  	s28 =	sadd.s32 $0x41D0, s25;
	s29 =	simm.s32 $0xBDE8  }
0xc3: {  	[hbm4b:s28+s3] =	stream.linear.scatter [tilespmem:s29], [sflag:$0x5], $0x80, $0x38;
	[tilespmem:$0x10C00] =	vst v63  }
0xc4: {  	s28 =	sadd.s32 $0x41E0, s25;
	s29 =	simm.s32 $0xBE70  }
0xc5: {  	[hbm4b:s28+s3] =	stream.linear.scatter [tilespmem:s29], [sflag:$0x5], $0x80, $0x38;
	[tilespmem:$0x10C00] =	vst v63  }
0xc6: {  	s28 =	sadd.s32 $0x41F0, s25;
	s29 =	simm.s32 $0xBEF8  }
0xc7: {  	[hbm4b:s28+s3] =	stream.linear.scatter [tilespmem:s29], [sflag:$0x5], $0x80, $0x38;
	[tilespmem:$0x10C00] =	vst v63  }
0xc8: {  	s28 =	sadd.s32 $0x8000, s25;
	s29 =	simm.s32 $0x8C80  }
0xc9: {  	[hbm4b:s28+s3] =	stream.linear.scatter [tilespmem:s29], [sflag:$0x5], $0x80, $0x38;
	[tilespmem:$0x10C00] =	vst v63  }
0xca: {  	s28 =	sadd.s32 $0x8010, s25;
	s29 =	simm.s32 $0x8D08  }
0xcb: {  	[hbm4b:s28+s3] =	stream.linear.scatter [tilespmem:s29], [sflag:$0x5], $0x80, $0x38;
	[tilespmem:$0x10C00] =	vst v63  }
0xcc: {  	s28 =	sadd.s32 $0x8020, s25;
	s29 =	simm.s32 $0x8D90  }
0xcd: {  	[hbm4b:s28+s3] =	stream.linear.scatter [tilespmem:s29], [sflag:$0x5], $0x80, $0x38;
	[tilespmem:$0x10C00] =	vst v63  }
0xce: {  	s28 =	sadd.s32 $0x8030, s25;
	s29 =	simm.s32 $0x8E18  }
0xcf: {  	[hbm4b:s28+s3] =	stream.linear.scatter [tilespmem:s29], [sflag:$0x5], $0x80, $0x38;
	[tilespmem:$0x10C00] =	vst v63  }
0xd0: {  	s28 =	sadd.s32 $0x8040, s25;
	s29 =	simm.s32 $0x8EA0  }
0xd1: {  	[hbm4b:s28+s3] =	stream.linear.scatter [tilespmem:s29], [sflag:$0x5], $0x80, $0x38;
	[tilespmem:$0x10C00] =	vst v63  }
0xd2: {  	s28 =	sadd.s32 $0x8050, s25;
	s29 =	simm.s32 $0x8F28  }
0xd3: {  	[hbm4b:s28+s3] =	stream.linear.scatter [tilespmem:s29], [sflag:$0x5], $0x80, $0x38;
	[tilespmem:$0x10C00] =	vst v63  }
0xd4: {  	s28 =	sadd.s32 $0x8060, s25;
	s29 =	simm.s32 $0x8FB0  }
0xd5: {  	[hbm4b:s28+s3] =	stream.linear.scatter [tilespmem:s29], [sflag:$0x5], $0x80, $0x38;
	[tilespmem:$0x10C00] =	vst v63  }
0xd6: {  	s28 =	sadd.s32 $0x8070, s25;
	s29 =	simm.s32 $0x9038  }
0xd7: {  	[hbm4b:s28+s3] =	stream.linear.scatter [tilespmem:s29], [sflag:$0x5], $0x80, $0x38;
	[tilespmem:$0x10C00] =	vst v63  }
0xd8: {  	s28 =	sadd.s32 $0x8080, s25;
	s29 =	simm.s32 $0x9D80  }
0xd9: {  	[hbm4b:s28+s3] =	stream.linear.scatter [tilespmem:s29], [sflag:$0x5], $0x80, $0x38;
	[tilespmem:$0x10C00] =	vst v63  }
0xda: {  	s28 =	sadd.s32 $0x8090, s25;
	s29 =	simm.s32 $0x9E08  }
0xdb: {  	[hbm4b:s28+s3] =	stream.linear.scatter [tilespmem:s29], [sflag:$0x5], $0x80, $0x38;
	[tilespmem:$0x10C00] =	vst v63  }
0xdc: {  	s28 =	sadd.s32 $0x80A0, s25;
	s29 =	simm.s32 $0x9E90  }
0xdd: {  	[hbm4b:s28+s3] =	stream.linear.scatter [tilespmem:s29], [sflag:$0x5], $0x80, $0x38;
	[tilespmem:$0x10C00] =	vst v63  }
0xde: {  	s28 =	sadd.s32 $0x80B0, s25;
	s29 =	simm.s32 $0x9F18  }
0xdf: {  	[hbm4b:s28+s3] =	stream.linear.scatter [tilespmem:s29], [sflag:$0x5], $0x80, $0x38;
	[tilespmem:$0x10C00] =	vst v63  }
0xe0: {  	s28 =	sadd.s32 $0x80C0, s25;
	s29 =	simm.s32 $0x9FA0  }
0xe1: {  	[hbm4b:s28+s3] =	stream.linear.scatter [tilespmem:s29], [sflag:$0x5], $0x80, $0x38;
	[tilespmem:$0x10C00] =	vst v63  }
0xe2: {  	s28 =	sadd.s32 $0x80D0, s25;
	s29 =	simm.s32 $0xA028  }
0xe3: {  	[hbm4b:s28+s3] =	stream.linear.scatter [tilespmem:s29], [sflag:$0x5], $0x80, $0x38;
	[tilespmem:$0x10C00] =	vst v63  }
0xe4: {  	s28 =	sadd.s32 $0x80E0, s25;
	s29 =	simm.s32 $0xA0B0  }
0xe5: {  	[hbm4b:s28+s3] =	stream.linear.scatter [tilespmem:s29], [sflag:$0x5], $0x80, $0x38;
	[tilespmem:$0x10C00] =	vst v63  }
0xe6: {  	s28 =	sadd.s32 $0x80F0, s25;
	s29 =	simm.s32 $0xA138  }
0xe7: {  	[hbm4b:s28+s3] =	stream.linear.scatter [tilespmem:s29], [sflag:$0x5], $0x80, $0x38;
	[tilespmem:$0x10C00] =	vst v63  }
0xe8: {  	s28 =	sadd.s32 $0x8100, s25;
	s29 =	simm.s32 $0xAE80  }
0xe9: {  	[hbm4b:s28+s3] =	stream.linear.scatter [tilespmem:s29], [sflag:$0x5], $0x80, $0x38;
	[tilespmem:$0x10C00] =	vst v63  }
0xea: {  	s28 =	sadd.s32 $0x8110, s25;
	s29 =	simm.s32 $0xAF08  }
0xeb: {  	[hbm4b:s28+s3] =	stream.linear.scatter [tilespmem:s29], [sflag:$0x5], $0x80, $0x38;
	[tilespmem:$0x10C00] =	vst v63  }
0xec: {  	s28 =	sadd.s32 $0x8120, s25;
	s29 =	simm.s32 $0xAF90  }
0xed: {  	[hbm4b:s28+s3] =	stream.linear.scatter [tilespmem:s29], [sflag:$0x5], $0x80, $0x38;
	[tilespmem:$0x10C00] =	vst v63  }
0xee: {  	s28 =	sadd.s32 $0x8130, s25;
	s29 =	simm.s32 $0xB018  }
0xef: {  	[hbm4b:s28+s3] =	stream.linear.scatter [tilespmem:s29], [sflag:$0x5], $0x80, $0x38;
	[tilespmem:$0x10C00] =	vst v63  }
0xf0: {  	s28 =	sadd.s32 $0x8140, s25;
	s29 =	simm.s32 $0xB0A0  }
0xf1: {  	[hbm4b:s28+s3] =	stream.linear.scatter [tilespmem:s29], [sflag:$0x5], $0x80, $0x38;
	[tilespmem:$0x10C00] =	vst v63  }
0xf2: {  	s28 =	sadd.s32 $0x8150, s25;
	s29 =	simm.s32 $0xB128  }
0xf3: {  	[hbm4b:s28+s3] =	stream.linear.scatter [tilespmem:s29], [sflag:$0x5], $0x80, $0x38;
	[tilespmem:$0x10C00] =	vst v63  }
0xf4: {  	s28 =	sadd.s32 $0x8160, s25;
	s29 =	simm.s32 $0xB1B0  }
0xf5: {  	[hbm4b:s28+s3] =	stream.linear.scatter [tilespmem:s29], [sflag:$0x5], $0x80, $0x38;
	[tilespmem:$0x10C00] =	vst v63  }
0xf6: {  	s28 =	sadd.s32 $0x8170, s25;
	s29 =	simm.s32 $0xB238  }
0xf7: {  	[hbm4b:s28+s3] =	stream.linear.scatter [tilespmem:s29], [sflag:$0x5], $0x80, $0x38;
	[tilespmem:$0x10C00] =	vst v63  }
0xf8: {  	s28 =	sadd.s32 $0x8180, s25;
	s29 =	simm.s32 $0xBF80  }
0xf9: {  	[hbm4b:s28+s3] =	stream.linear.scatter [tilespmem:s29], [sflag:$0x5], $0x80, $0x38;
	[tilespmem:$0x10C00] =	vst v63  }
0xfa: {  	s28 =	sadd.s32 $0x8190, s25;
	s29 =	simm.s32 $0xC008  }
0xfb: {  	[hbm4b:s28+s3] =	stream.linear.scatter [tilespmem:s29], [sflag:$0x5], $0x80, $0x38;
	[tilespmem:$0x10C00] =	vst v63  }
0xfc: {  	s28 =	sadd.s32 $0x81A0, s25;
	s29 =	simm.s32 $0xC090  }
0xfd: {  	[hbm4b:s28+s3] =	stream.linear.scatter [tilespmem:s29], [sflag:$0x5], $0x80, $0x38;
	[tilespmem:$0x10C00] =	vst v63  }
0xfe: {  	s28 =	sadd.s32 $0x81B0, s25;
	s29 =	simm.s32 $0xC118  }
0xff: {  	[hbm4b:s28+s3] =	stream.linear.scatter [tilespmem:s29], [sflag:$0x5], $0x80, $0x38;
	[tilespmem:$0x10C00] =	vst v63  }
0x100: {  	s28 =	sadd.s32 $0x81C0, s25;
	s29 =	simm.s32 $0xC1A0  }
0x101: {  	[hbm4b:s28+s3] =	stream.linear.scatter [tilespmem:s29], [sflag:$0x5], $0x80, $0x38;
	[tilespmem:$0x10C00] =	vst v63  }
0x102: {  	s28 =	sadd.s32 $0x81D0, s25;
	s29 =	simm.s32 $0xC228  }
0x103: {  	[hbm4b:s28+s3] =	stream.linear.scatter [tilespmem:s29], [sflag:$0x5], $0x80, $0x38;
	[tilespmem:$0x10C00] =	vst v63  }
0x104: {  	s28 =	sadd.s32 $0x81E0, s25;
	s29 =	simm.s32 $0xC2B0  }
0x105: {  	[hbm4b:s28+s3] =	stream.linear.scatter [tilespmem:s29], [sflag:$0x5], $0x80, $0x38;
	[tilespmem:$0x10C00] =	vst v63  }
0x106: {  	s28 =	sadd.s32 $0x81F0, s25;
	s29 =	simm.s32 $0xC338  }
0x107: {  	[hbm4b:s28+s3] =	stream.linear.scatter [tilespmem:s29], [sflag:$0x5], $0x80, $0x38;
	[tilespmem:$0x10C00] =	vst v63  }
0x108: {  	s28 =	sadd.s32 $0xC000, s25;
	s29 =	simm.s32 $0x90C0  }
0x109: {  	[hbm4b:s28+s3] =	stream.linear.scatter [tilespmem:s29], [sflag:$0x5], $0x80, $0x38;
	[tilespmem:$0x10C00] =	vst v63  }
0x10a: {  	s28 =	sadd.s32 $0xC010, s25;
	s29 =	simm.s32 $0x9148  }
0x10b: {  	[hbm4b:s28+s3] =	stream.linear.scatter [tilespmem:s29], [sflag:$0x5], $0x80, $0x38;
	[tilespmem:$0x10C00] =	vst v63  }
0x10c: {  	s28 =	sadd.s32 $0xC020, s25;
	s29 =	simm.s32 $0x91D0  }
0x10d: {  	[hbm4b:s28+s3] =	stream.linear.scatter [tilespmem:s29], [sflag:$0x5], $0x80, $0x38;
	[tilespmem:$0x10C00] =	vst v63  }
0x10e: {  	s28 =	sadd.s32 $0xC030, s25;
	s29 =	simm.s32 $0x9258  }
0x10f: {  	[hbm4b:s28+s3] =	stream.linear.scatter [tilespmem:s29], [sflag:$0x5], $0x80, $0x38;
	[tilespmem:$0x10C00] =	vst v63  }
0x110: {  	s28 =	sadd.s32 $0xC040, s25;
	s29 =	simm.s32 $0x92E0  }
0x111: {  	[hbm4b:s28+s3] =	stream.linear.scatter [tilespmem:s29], [sflag:$0x5], $0x80, $0x38;
	[tilespmem:$0x10C00] =	vst v63  }
0x112: {  	s28 =	sadd.s32 $0xC050, s25;
	s29 =	simm.s32 $0x9368  }
0x113: {  	[hbm4b:s28+s3] =	stream.linear.scatter [tilespmem:s29], [sflag:$0x5], $0x80, $0x38;
	[tilespmem:$0x10C00] =	vst v63  }
0x114: {  	s28 =	sadd.s32 $0xC060, s25;
	s29 =	simm.s32 $0x93F0  }
0x115: {  	[hbm4b:s28+s3] =	stream.linear.scatter [tilespmem:s29], [sflag:$0x5], $0x80, $0x38;
	[tilespmem:$0x10C00] =	vst v63  }
0x116: {  	s28 =	sadd.s32 $0xC070, s25;
	s29 =	simm.s32 $0x9478  }
0x117: {  	[hbm4b:s28+s3] =	stream.linear.scatter [tilespmem:s29], [sflag:$0x5], $0x80, $0x38;
	[tilespmem:$0x10C00] =	vst v63  }
0x118: {  	s28 =	sadd.s32 $0xC080, s25;
	s29 =	simm.s32 $0xA1C0  }
0x119: {  	[hbm4b:s28+s3] =	stream.linear.scatter [tilespmem:s29], [sflag:$0x5], $0x80, $0x38;
	[tilespmem:$0x10C00] =	vst v63  }
0x11a: {  	s28 =	sadd.s32 $0xC090, s25;
	s29 =	simm.s32 $0xA248  }
0x11b: {  	[hbm4b:s28+s3] =	stream.linear.scatter [tilespmem:s29], [sflag:$0x5], $0x80, $0x38;
	[tilespmem:$0x10C00] =	vst v63  }
0x11c: {  	s28 =	sadd.s32 $0xC0A0, s25;
	s29 =	simm.s32 $0xA2D0  }
0x11d: {  	[hbm4b:s28+s3] =	stream.linear.scatter [tilespmem:s29], [sflag:$0x5], $0x80, $0x38;
	[tilespmem:$0x10C00] =	vst v63  }
0x11e: {  	s28 =	sadd.s32 $0xC0B0, s25;
	s29 =	simm.s32 $0xA358  }
0x11f: {  	[hbm4b:s28+s3] =	stream.linear.scatter [tilespmem:s29], [sflag:$0x5], $0x80, $0x38;
	[tilespmem:$0x10C00] =	vst v63  }
0x120: {  	s28 =	sadd.s32 $0xC0C0, s25;
	s29 =	simm.s32 $0xA3E0  }
0x121: {  	[hbm4b:s28+s3] =	stream.linear.scatter [tilespmem:s29], [sflag:$0x5], $0x80, $0x38;
	[tilespmem:$0x10C00] =	vst v63  }
0x122: {  	s28 =	sadd.s32 $0xC0D0, s25;
	s29 =	simm.s32 $0xA468  }
0x123: {  	[hbm4b:s28+s3] =	stream.linear.scatter [tilespmem:s29], [sflag:$0x5], $0x80, $0x38;
	[tilespmem:$0x10C00] =	vst v63  }
0x124: {  	s28 =	sadd.s32 $0xC0E0, s25;
	s29 =	simm.s32 $0xA4F0  }
0x125: {  	[hbm4b:s28+s3] =	stream.linear.scatter [tilespmem:s29], [sflag:$0x5], $0x80, $0x38;
	[tilespmem:$0x10C00] =	vst v63  }
0x126: {  	s28 =	sadd.s32 $0xC0F0, s25;
	s29 =	simm.s32 $0xA578  }
0x127: {  	[hbm4b:s28+s3] =	stream.linear.scatter [tilespmem:s29], [sflag:$0x5], $0x80, $0x38;
	[tilespmem:$0x10C00] =	vst v63  }
0x128: {  	s28 =	sadd.s32 $0xC100, s25;
	s29 =	simm.s32 $0xB2C0  }
0x129: {  	[hbm4b:s28+s3] =	stream.linear.scatter [tilespmem:s29], [sflag:$0x5], $0x80, $0x38;
	[tilespmem:$0x10C00] =	vst v63  }
0x12a: {  	s28 =	sadd.s32 $0xC110, s25;
	s29 =	simm.s32 $0xB348  }
0x12b: {  	[hbm4b:s28+s3] =	stream.linear.scatter [tilespmem:s29], [sflag:$0x5], $0x80, $0x38;
	[tilespmem:$0x10C00] =	vst v63  }
0x12c: {  	s28 =	sadd.s32 $0xC120, s25;
	s29 =	simm.s32 $0xB3D0  }
0x12d: {  	[hbm4b:s28+s3] =	stream.linear.scatter [tilespmem:s29], [sflag:$0x5], $0x80, $0x38;
	[tilespmem:$0x10C00] =	vst v63  }
0x12e: {  	s28 =	sadd.s32 $0xC130, s25;
	s29 =	simm.s32 $0xB458  }
0x12f: {  	[hbm4b:s28+s3] =	stream.linear.scatter [tilespmem:s29], [sflag:$0x5], $0x80, $0x38;
	[tilespmem:$0x10C00] =	vst v63  }
0x130: {  	s28 =	sadd.s32 $0xC140, s25;
	s29 =	simm.s32 $0xB4E0  }
0x131: {  	[hbm4b:s28+s3] =	stream.linear.scatter [tilespmem:s29], [sflag:$0x5], $0x80, $0x38;
	[tilespmem:$0x10C00] =	vst v63  }
0x132: {  	s28 =	sadd.s32 $0xC150, s25;
	s29 =	simm.s32 $0xB568  }
0x133: {  	[hbm4b:s28+s3] =	stream.linear.scatter [tilespmem:s29], [sflag:$0x5], $0x80, $0x38;
	[tilespmem:$0x10C00] =	vst v63  }
0x134: {  	s28 =	sadd.s32 $0xC160, s25;
	s29 =	simm.s32 $0xB5F0  }
0x135: {  	[hbm4b:s28+s3] =	stream.linear.scatter [tilespmem:s29], [sflag:$0x5], $0x80, $0x38;
	[tilespmem:$0x10C00] =	vst v63  }
0x136: {  	s28 =	sadd.s32 $0xC170, s25;
	s29 =	simm.s32 $0xB678  }
0x137: {  	[hbm4b:s28+s3] =	stream.linear.scatter [tilespmem:s29], [sflag:$0x5], $0x80, $0x38;
	[tilespmem:$0x10C00] =	vst v63  }
0x138: {  	s28 =	sadd.s32 $0xC180, s25;
	s29 =	simm.s32 $0xC3C0  }
0x139: {  	[hbm4b:s28+s3] =	stream.linear.scatter [tilespmem:s29], [sflag:$0x5], $0x80, $0x38;
	[tilespmem:$0x10C00] =	vst v63  }
0x13a: {  	s28 =	sadd.s32 $0xC190, s25;
	s29 =	simm.s32 $0xC448  }
0x13b: {  	[hbm4b:s28+s3] =	stream.linear.scatter [tilespmem:s29], [sflag:$0x5], $0x80, $0x38;
	[tilespmem:$0x10C00] =	vst v63  }
0x13c: {  	s28 =	sadd.s32 $0xC1A0, s25;
	s29 =	simm.s32 $0xC4D0  }
0x13d: {  	[hbm4b:s28+s3] =	stream.linear.scatter [tilespmem:s29], [sflag:$0x5], $0x80, $0x38;
	[tilespmem:$0x10C00] =	vst v63  }
0x13e: {  	s28 =	sadd.s32 $0xC1B0, s25;
	s29 =	simm.s32 $0xC558  }
0x13f: {  	[hbm4b:s28+s3] =	stream.linear.scatter [tilespmem:s29], [sflag:$0x5], $0x80, $0x38;
	[tilespmem:$0x10C00] =	vst v63  }
0x140: {  	s28 =	sadd.s32 $0xC1C0, s25;
	s29 =	simm.s32 $0xC5E0  }
0x141: {  	[hbm4b:s28+s3] =	stream.linear.scatter [tilespmem:s29], [sflag:$0x5], $0x80, $0x38;
	[tilespmem:$0x10C00] =	vst v63  }
0x142: {  	s28 =	sadd.s32 $0xC1D0, s25;
	s29 =	simm.s32 $0xC668  }
0x143: {  	[hbm4b:s28+s3] =	stream.linear.scatter [tilespmem:s29], [sflag:$0x5], $0x80, $0x38;
	[tilespmem:$0x10C00] =	vst v63  }
0x144: {  	s28 =	sadd.s32 $0xC1E0, s25;
	s29 =	simm.s32 $0xC6F0  }
0x145: {  	[hbm4b:s28+s3] =	stream.linear.scatter [tilespmem:s29], [sflag:$0x5], $0x80, $0x38;
	[tilespmem:$0x10C00] =	vst v63  }
0x146: {  	s28 =	sadd.s32 $0xC1F0, s25;
	s29 =	simm.s32 $0xC778  }
0x147: {  	[hbm4b:s28+s3] =	stream.linear.scatter [tilespmem:s29], [sflag:$0x5], $0x80, $0x38;
	[tilespmem:$0x10C00] =	vst v63  }
0x148: {  	_ =	swait.ge [sflag:s17], $0x4000  }
0x149: {  	[sflag:s17] =	ssyncset.done $0x0  }
0x14a: {  	s28 =	simm.s32 @!p0 $0x1;
	[sflag:s17] =	ssyncadd.s32 $0xFFFFC000  }
0x14b: {  	_ =	swait.ge @!p0 [sflag:s28], $0x200  }
0x14c: {  	[sflag:s28] =	ssyncset.done @!p0 $0x0  }
0x14d: {  	s29 =	simm.s32 @!p0 $0x400;
	[sflag:s28] =	ssyncadd.s32 @!p0 $0xFFFFFE00;
	s28 =	simm.s32 @!p0 $0x200  }
0x14e: {  	[tilespmem:s29], [sflag:$0x3] =	stream.indirect.gather @!p0 [hbm4b:s4+s28], $0x20, s26, s28, $0xb8;
	[tilespmem:$0x10C00] =	vst v63  }
0x14f: {  	_ = 	snop  }
0x150: {  	[tilespmem:s28], [sflag:$0x2] =	stream.linear.gather @!p0 [hbm4b:s24+s26], $0x200, $0x38;
	[tilespmem:$0x10C00] =	vst v63  }
0x151: {  	s26 =	simm.s32 @!p1 $0x6  }
0x152: {  	_ =	swait.ge @!p1 [sflag:s26], $0x1000  }
0x153: {  	[sflag:s26] =	ssyncset.done @!p1 $0x0  }
0x154: {  	[sflag:s26] =	ssyncadd.s32 @!p1 $0xFFFFF000  }
0x155: {  	_ =	swait.ge @!p1 [sflag:s26], $0x1000  }
0x156: {  	[sflag:s26] =	ssyncset.done @!p1 $0x0  }
0x157: {  	[sflag:s26] =	ssyncadd.s32 @!p1 $0xFFFFF000  }
0x158: {  	_ =	swait.ge @!p1 [sflag:s26], $0x1000  }
0x159: {  	[sflag:s26] =	ssyncset.done @!p1 $0x0  }
0x15a: {  	[sflag:s26] =	ssyncadd.s32 @!p1 $0xFFFFF000  }
0x15b: {  	_ =	swait.ge @!p1 [sflag:s26], $0x1000  }
0x15c: {  	[sflag:s26] =	ssyncset.done @!p1 $0x0  }
0x15d: {  	s29 =	simm.s32 $0xC800;
	[sflag:s26] =	ssyncadd.s32 @!p1 $0xFFFFF000;
	s26 =	sadd.s32 $0x10000, s25  }
0x15e: {  	[hbm4b:s26+s3] =	stream.linear.scatter [tilespmem:s29], [sflag:$0x6], $0x80, $0x38;
	[tilespmem:$0x10C00] =	vst v63  }
0x15f: {  	s28 =	sadd.s32 $0x10, s26;
	s29 =	simm.s32 $0xC888  }
0x160: {  	[hbm4b:s28+s3] =	stream.linear.scatter [tilespmem:s29], [sflag:$0x6], $0x80, $0x38;
	[tilespmem:$0x10C00] =	vst v63  }
0x161: {  	s28 =	sadd.s32 $0x20, s26;
	s29 =	simm.s32 $0xC910  }
0x162: {  	[hbm4b:s28+s3] =	stream.linear.scatter [tilespmem:s29], [sflag:$0x6], $0x80, $0x38;
	[tilespmem:$0x10C00] =	vst v63  }
0x163: {  	s28 =	sadd.s32 $0x30, s26;
	s29 =	simm.s32 $0xC998  }
0x164: {  	[hbm4b:s28+s3] =	stream.linear.scatter [tilespmem:s29], [sflag:$0x6], $0x80, $0x38;
	[tilespmem:$0x10C00] =	vst v63  }
0x165: {  	s28 =	sadd.s32 $0x40, s26;
	s29 =	simm.s32 $0xCA20  }
0x166: {  	[hbm4b:s28+s3] =	stream.linear.scatter [tilespmem:s29], [sflag:$0x6], $0x80, $0x38;
	[tilespmem:$0x10C00] =	vst v63  }
0x167: {  	s28 =	sadd.s32 $0x50, s26;
	s29 =	simm.s32 $0xCAA8  }
0x168: {  	[hbm4b:s28+s3] =	stream.linear.scatter [tilespmem:s29], [sflag:$0x6], $0x80, $0x38;
	[tilespmem:$0x10C00] =	vst v63  }
0x169: {  	s28 =	sadd.s32 $0x60, s26;
	s29 =	simm.s32 $0xCB30  }
0x16a: {  	[hbm4b:s28+s3] =	stream.linear.scatter [tilespmem:s29], [sflag:$0x6], $0x80, $0x38;
	[tilespmem:$0x10C00] =	vst v63  }
0x16b: {  	s28 =	sadd.s32 $0x70, s26;
	s29 =	simm.s32 $0xCBB8  }
0x16c: {  	[hbm4b:s28+s3] =	stream.linear.scatter [tilespmem:s29], [sflag:$0x6], $0x80, $0x38;
	[tilespmem:$0x10C00] =	vst v63  }
0x16d: {  	s28 =	sadd.s32 $0x80, s26;
	s29 =	simm.s32 $0xD900  }
0x16e: {  	[hbm4b:s28+s3] =	stream.linear.scatter [tilespmem:s29], [sflag:$0x6], $0x80, $0x38;
	[tilespmem:$0x10C00] =	vst v63  }
0x16f: {  	s28 =	sadd.s32 $0x90, s26;
	s29 =	simm.s32 $0xD988  }
0x170: {  	[hbm4b:s28+s3] =	stream.linear.scatter [tilespmem:s29], [sflag:$0x6], $0x80, $0x38;
	[tilespmem:$0x10C00] =	vst v63  }
0x171: {  	s28 =	sadd.s32 $0xA0, s26;
	s29 =	simm.s32 $0xDA10  }
0x172: {  	[hbm4b:s28+s3] =	stream.linear.scatter [tilespmem:s29], [sflag:$0x6], $0x80, $0x38;
	[tilespmem:$0x10C00] =	vst v63  }
0x173: {  	s28 =	sadd.s32 $0xB0, s26;
	s29 =	simm.s32 $0xDA98  }
0x174: {  	[hbm4b:s28+s3] =	stream.linear.scatter [tilespmem:s29], [sflag:$0x6], $0x80, $0x38;
	[tilespmem:$0x10C00] =	vst v63  }
0x175: {  	s28 =	sadd.s32 $0xC0, s26;
	s29 =	simm.s32 $0xDB20  }
0x176: {  	[hbm4b:s28+s3] =	stream.linear.scatter [tilespmem:s29], [sflag:$0x6], $0x80, $0x38;
	[tilespmem:$0x10C00] =	vst v63  }
0x177: {  	s28 =	sadd.s32 $0xD0, s26;
	s29 =	simm.s32 $0xDBA8  }
0x178: {  	[hbm4b:s28+s3] =	stream.linear.scatter [tilespmem:s29], [sflag:$0x6], $0x80, $0x38;
	[tilespmem:$0x10C00] =	vst v63  }
0x179: {  	s28 =	sadd.s32 $0xE0, s26;
	s29 =	simm.s32 $0xDC30  }
0x17a: {  	[hbm4b:s28+s3] =	stream.linear.scatter [tilespmem:s29], [sflag:$0x6], $0x80, $0x38;
	[tilespmem:$0x10C00] =	vst v63  }
0x17b: {  	s28 =	sadd.s32 $0xF0, s26;
	s29 =	simm.s32 $0xDCB8  }
0x17c: {  	[hbm4b:s28+s3] =	stream.linear.scatter [tilespmem:s29], [sflag:$0x6], $0x80, $0x38;
	[tilespmem:$0x10C00] =	vst v63  }
0x17d: {  	s28 =	sadd.s32 $0x100, s26;
	s29 =	simm.s32 $0xEA00  }
0x17e: {  	[hbm4b:s28+s3] =	stream.linear.scatter [tilespmem:s29], [sflag:$0x6], $0x80, $0x38;
	[tilespmem:$0x10C00] =	vst v63  }
0x17f: {  	s28 =	sadd.s32 $0x110, s26;
	s29 =	simm.s32 $0xEA88  }
0x180: {  	[hbm4b:s28+s3] =	stream.linear.scatter [tilespmem:s29], [sflag:$0x6], $0x80, $0x38;
	[tilespmem:$0x10C00] =	vst v63  }
0x181: {  	s28 =	sadd.s32 $0x120, s26;
	s29 =	simm.s32 $0xEB10  }
0x182: {  	[hbm4b:s28+s3] =	stream.linear.scatter [tilespmem:s29], [sflag:$0x6], $0x80, $0x38;
	[tilespmem:$0x10C00] =	vst v63  }
0x183: {  	s28 =	sadd.s32 $0x130, s26;
	s29 =	simm.s32 $0xEB98  }
0x184: {  	[hbm4b:s28+s3] =	stream.linear.scatter [tilespmem:s29], [sflag:$0x6], $0x80, $0x38;
	[tilespmem:$0x10C00] =	vst v63  }
0x185: {  	s28 =	sadd.s32 $0x140, s26;
	s29 =	simm.s32 $0xEC20  }
0x186: {  	[hbm4b:s28+s3] =	stream.linear.scatter [tilespmem:s29], [sflag:$0x6], $0x80, $0x38;
	[tilespmem:$0x10C00] =	vst v63  }
0x187: {  	s28 =	sadd.s32 $0x150, s26;
	s29 =	simm.s32 $0xECA8  }
0x188: {  	[hbm4b:s28+s3] =	stream.linear.scatter [tilespmem:s29], [sflag:$0x6], $0x80, $0x38;
	[tilespmem:$0x10C00] =	vst v63  }
0x189: {  	s28 =	sadd.s32 $0x160, s26;
	s29 =	simm.s32 $0xED30  }
0x18a: {  	[hbm4b:s28+s3] =	stream.linear.scatter [tilespmem:s29], [sflag:$0x6], $0x80, $0x38;
	[tilespmem:$0x10C00] =	vst v63  }
0x18b: {  	s28 =	sadd.s32 $0x170, s26;
	s29 =	simm.s32 $0xEDB8  }
0x18c: {  	[hbm4b:s28+s3] =	stream.linear.scatter [tilespmem:s29], [sflag:$0x6], $0x80, $0x38;
	[tilespmem:$0x10C00] =	vst v63  }
0x18d: {  	s28 =	sadd.s32 $0x180, s26;
	s29 =	simm.s32 $0xFB00  }
0x18e: {  	[hbm4b:s28+s3] =	stream.linear.scatter [tilespmem:s29], [sflag:$0x6], $0x80, $0x38;
	[tilespmem:$0x10C00] =	vst v63  }
0x18f: {  	s28 =	sadd.s32 $0x190, s26;
	s29 =	simm.s32 $0xFB88  }
0x190: {  	[hbm4b:s28+s3] =	stream.linear.scatter [tilespmem:s29], [sflag:$0x6], $0x80, $0x38;
	[tilespmem:$0x10C00] =	vst v63  }
0x191: {  	s28 =	sadd.s32 $0x1A0, s26;
	s29 =	simm.s32 $0xFC10  }
0x192: {  	[hbm4b:s28+s3] =	stream.linear.scatter [tilespmem:s29], [sflag:$0x6], $0x80, $0x38;
	[tilespmem:$0x10C00] =	vst v63  }
0x193: {  	s28 =	sadd.s32 $0x1B0, s26;
	s29 =	simm.s32 $0xFC98  }
0x194: {  	[hbm4b:s28+s3] =	stream.linear.scatter [tilespmem:s29], [sflag:$0x6], $0x80, $0x38;
	[tilespmem:$0x10C00] =	vst v63  }
0x195: {  	s28 =	sadd.s32 $0x1C0, s26;
	s29 =	simm.s32 $0xFD20  }
0x196: {  	[hbm4b:s28+s3] =	stream.linear.scatter [tilespmem:s29], [sflag:$0x6], $0x80, $0x38;
	[tilespmem:$0x10C00] =	vst v63  }
0x197: {  	s28 =	sadd.s32 $0x1D0, s26;
	s29 =	simm.s32 $0xFDA8  }
0x198: {  	[hbm4b:s28+s3] =	stream.linear.scatter [tilespmem:s29], [sflag:$0x6], $0x80, $0x38;
	[tilespmem:$0x10C00] =	vst v63  }
0x199: {  	s28 =	sadd.s32 $0x1E0, s26;
	s29 =	simm.s32 $0xFE30  }
0x19a: {  	[hbm4b:s28+s3] =	stream.linear.scatter [tilespmem:s29], [sflag:$0x6], $0x80, $0x38;
	[tilespmem:$0x10C00] =	vst v63  }
0x19b: {  	s26 =	sadd.s32 $0x1F0, s26;
	s29 =	simm.s32 $0xFEB8  }
0x19c: {  	[hbm4b:s26+s3] =	stream.linear.scatter [tilespmem:s29], [sflag:$0x6], $0x80, $0x38;
	[tilespmem:$0x10C00] =	vst v63  }
0x19d: {  	s26 =	sadd.s32 $0x14000, s25;
	s29 =	simm.s32 $0xCC40  }
0x19e: {  	[hbm4b:s26+s3] =	stream.linear.scatter [tilespmem:s29], [sflag:$0x6], $0x80, $0x38;
	[tilespmem:$0x10C00] =	vst v63  }
0x19f: {  	s28 =	sadd.s32 $0x10, s26;
	s29 =	simm.s32 $0xCCC8  }
0x1a0: {  	[hbm4b:s28+s3] =	stream.linear.scatter [tilespmem:s29], [sflag:$0x6], $0x80, $0x38;
	[tilespmem:$0x10C00] =	vst v63  }
0x1a1: {  	s28 =	sadd.s32 $0x20, s26;
	s29 =	simm.s32 $0xCD50  }
0x1a2: {  	[hbm4b:s28+s3] =	stream.linear.scatter [tilespmem:s29], [sflag:$0x6], $0x80, $0x38;
	[tilespmem:$0x10C00] =	vst v63  }
0x1a3: {  	s28 =	sadd.s32 $0x30, s26;
	s29 =	simm.s32 $0xCDD8  }
0x1a4: {  	[hbm4b:s28+s3] =	stream.linear.scatter [tilespmem:s29], [sflag:$0x6], $0x80, $0x38;
	[tilespmem:$0x10C00] =	vst v63  }
0x1a5: {  	s28 =	sadd.s32 $0x40, s26;
	s29 =	simm.s32 $0xCE60  }
0x1a6: {  	[hbm4b:s28+s3] =	stream.linear.scatter [tilespmem:s29], [sflag:$0x6], $0x80, $0x38;
	[tilespmem:$0x10C00] =	vst v63  }
0x1a7: {  	s28 =	sadd.s32 $0x50, s26;
	s29 =	simm.s32 $0xCEE8  }
0x1a8: {  	[hbm4b:s28+s3] =	stream.linear.scatter [tilespmem:s29], [sflag:$0x6], $0x80, $0x38;
	[tilespmem:$0x10C00] =	vst v63  }
0x1a9: {  	s28 =	sadd.s32 $0x60, s26;
	s29 =	simm.s32 $0xCF70  }
0x1aa: {  	[hbm4b:s28+s3] =	stream.linear.scatter [tilespmem:s29], [sflag:$0x6], $0x80, $0x38;
	[tilespmem:$0x10C00] =	vst v63  }
0x1ab: {  	s28 =	sadd.s32 $0x70, s26;
	s29 =	simm.s32 $0xCFF8  }
0x1ac: {  	[hbm4b:s28+s3] =	stream.linear.scatter [tilespmem:s29], [sflag:$0x6], $0x80, $0x38;
	[tilespmem:$0x10C00] =	vst v63  }
0x1ad: {  	s28 =	sadd.s32 $0x80, s26;
	s29 =	simm.s32 $0xDD40  }
0x1ae: {  	[hbm4b:s28+s3] =	stream.linear.scatter [tilespmem:s29], [sflag:$0x6], $0x80, $0x38;
	[tilespmem:$0x10C00] =	vst v63  }
0x1af: {  	s28 =	sadd.s32 $0x90, s26;
	s29 =	simm.s32 $0xDDC8  }
0x1b0: {  	[hbm4b:s28+s3] =	stream.linear.scatter [tilespmem:s29], [sflag:$0x6], $0x80, $0x38;
	[tilespmem:$0x10C00] =	vst v63  }
0x1b1: {  	s28 =	sadd.s32 $0xA0, s26;
	s29 =	simm.s32 $0xDE50  }
0x1b2: {  	[hbm4b:s28+s3] =	stream.linear.scatter [tilespmem:s29], [sflag:$0x6], $0x80, $0x38;
	[tilespmem:$0x10C00] =	vst v63  }
0x1b3: {  	s28 =	sadd.s32 $0xB0, s26;
	s29 =	simm.s32 $0xDED8  }
0x1b4: {  	[hbm4b:s28+s3] =	stream.linear.scatter [tilespmem:s29], [sflag:$0x6], $0x80, $0x38;
	[tilespmem:$0x10C00] =	vst v63  }
0x1b5: {  	s28 =	sadd.s32 $0xC0, s26;
	s29 =	simm.s32 $0xDF60  }
0x1b6: {  	[hbm4b:s28+s3] =	stream.linear.scatter [tilespmem:s29], [sflag:$0x6], $0x80, $0x38;
	[tilespmem:$0x10C00] =	vst v63  }
0x1b7: {  	s28 =	sadd.s32 $0xD0, s26;
	s29 =	simm.s32 $0xDFE8  }
0x1b8: {  	[hbm4b:s28+s3] =	stream.linear.scatter [tilespmem:s29], [sflag:$0x6], $0x80, $0x38;
	[tilespmem:$0x10C00] =	vst v63  }
0x1b9: {  	s28 =	sadd.s32 $0xE0, s26;
	s29 =	simm.s32 $0xE070  }
0x1ba: {  	[hbm4b:s28+s3] =	stream.linear.scatter [tilespmem:s29], [sflag:$0x6], $0x80, $0x38;
	[tilespmem:$0x10C00] =	vst v63  }
0x1bb: {  	s28 =	sadd.s32 $0xF0, s26;
	s29 =	simm.s32 $0xE0F8  }
0x1bc: {  	[hbm4b:s28+s3] =	stream.linear.scatter [tilespmem:s29], [sflag:$0x6], $0x80, $0x38;
	[tilespmem:$0x10C00] =	vst v63  }
0x1bd: {  	s28 =	sadd.s32 $0x100, s26;
	s29 =	simm.s32 $0xEE40  }
0x1be: {  	[hbm4b:s28+s3] =	stream.linear.scatter [tilespmem:s29], [sflag:$0x6], $0x80, $0x38;
	[tilespmem:$0x10C00] =	vst v63  }
0x1bf: {  	s28 =	sadd.s32 $0x110, s26;
	s29 =	simm.s32 $0xEEC8  }
0x1c0: {  	[hbm4b:s28+s3] =	stream.linear.scatter [tilespmem:s29], [sflag:$0x6], $0x80, $0x38;
	[tilespmem:$0x10C00] =	vst v63  }
0x1c1: {  	s28 =	sadd.s32 $0x120, s26;
	s29 =	simm.s32 $0xEF50  }
0x1c2: {  	[hbm4b:s28+s3] =	stream.linear.scatter [tilespmem:s29], [sflag:$0x6], $0x80, $0x38;
	[tilespmem:$0x10C00] =	vst v63  }
0x1c3: {  	s28 =	sadd.s32 $0x130, s26;
	s29 =	simm.s32 $0xEFD8  }
0x1c4: {  	[hbm4b:s28+s3] =	stream.linear.scatter [tilespmem:s29], [sflag:$0x6], $0x80, $0x38;
	[tilespmem:$0x10C00] =	vst v63  }
0x1c5: {  	s28 =	sadd.s32 $0x140, s26;
	s29 =	simm.s32 $0xF060  }
0x1c6: {  	[hbm4b:s28+s3] =	stream.linear.scatter [tilespmem:s29], [sflag:$0x6], $0x80, $0x38;
	[tilespmem:$0x10C00] =	vst v63  }
0x1c7: {  	s28 =	sadd.s32 $0x150, s26;
	s29 =	simm.s32 $0xF0E8  }
0x1c8: {  	[hbm4b:s28+s3] =	stream.linear.scatter [tilespmem:s29], [sflag:$0x6], $0x80, $0x38;
	[tilespmem:$0x10C00] =	vst v63  }
0x1c9: {  	s28 =	sadd.s32 $0x160, s26;
	s29 =	simm.s32 $0xF170  }
0x1ca: {  	[hbm4b:s28+s3] =	stream.linear.scatter [tilespmem:s29], [sflag:$0x6], $0x80, $0x38;
	[tilespmem:$0x10C00] =	vst v63  }
0x1cb: {  	s28 =	sadd.s32 $0x170, s26;
	s29 =	simm.s32 $0xF1F8  }
0x1cc: {  	[hbm4b:s28+s3] =	stream.linear.scatter [tilespmem:s29], [sflag:$0x6], $0x80, $0x38;
	[tilespmem:$0x10C00] =	vst v63  }
0x1cd: {  	s28 =	sadd.s32 $0x180, s26;
	s29 =	simm.s32 $0xFF40  }
0x1ce: {  	[hbm4b:s28+s3] =	stream.linear.scatter [tilespmem:s29], [sflag:$0x6], $0x80, $0x38;
	[tilespmem:$0x10C00] =	vst v63  }
0x1cf: {  	s28 =	sadd.s32 $0x190, s26;
	s29 =	simm.s32 $0xFFC8  }
0x1d0: {  	[hbm4b:s28+s3] =	stream.linear.scatter [tilespmem:s29], [sflag:$0x6], $0x80, $0x38;
	[tilespmem:$0x10C00] =	vst v63  }
0x1d1: {  	s28 =	sadd.s32 $0x1A0, s26;
	s29 =	simm.s32 $0x10050  }
0x1d2: {  	[hbm4b:s28+s3] =	stream.linear.scatter [tilespmem:s29], [sflag:$0x6], $0x80, $0x38;
	[tilespmem:$0x10C00] =	vst v63  }
0x1d3: {  	s28 =	sadd.s32 $0x1B0, s26;
	s29 =	simm.s32 $0x100D8  }
0x1d4: {  	[hbm4b:s28+s3] =	stream.linear.scatter [tilespmem:s29], [sflag:$0x6], $0x80, $0x38;
	[tilespmem:$0x10C00] =	vst v63  }
0x1d5: {  	s28 =	sadd.s32 $0x1C0, s26;
	s29 =	simm.s32 $0x10160  }
0x1d6: {  	[hbm4b:s28+s3] =	stream.linear.scatter [tilespmem:s29], [sflag:$0x6], $0x80, $0x38;
	[tilespmem:$0x10C00] =	vst v63  }
0x1d7: {  	s28 =	sadd.s32 $0x1D0, s26;
	s29 =	simm.s32 $0x101E8  }
0x1d8: {  	[hbm4b:s28+s3] =	stream.linear.scatter [tilespmem:s29], [sflag:$0x6], $0x80, $0x38;
	[tilespmem:$0x10C00] =	vst v63  }
0x1d9: {  	s28 =	sadd.s32 $0x1E0, s26;
	s29 =	simm.s32 $0x10270  }
0x1da: {  	[hbm4b:s28+s3] =	stream.linear.scatter [tilespmem:s29], [sflag:$0x6], $0x80, $0x38;
	[tilespmem:$0x10C00] =	vst v63  }
0x1db: {  	s26 =	sadd.s32 $0x1F0, s26;
	s29 =	simm.s32 $0x102F8  }
0x1dc: {  	[hbm4b:s26+s3] =	stream.linear.scatter [tilespmem:s29], [sflag:$0x6], $0x80, $0x38;
	[tilespmem:$0x10C00] =	vst v63  }
0x1dd: {  	s26 =	sadd.s32 $0x18000, s25;
	s29 =	simm.s32 $0xD080  }
0x1de: {  	[hbm4b:s26+s3] =	stream.linear.scatter [tilespmem:s29], [sflag:$0x6], $0x80, $0x38;
	[tilespmem:$0x10C00] =	vst v63  }
0x1df: {  	s28 =	sadd.s32 $0x10, s26;
	s29 =	simm.s32 $0xD108  }
0x1e0: {  	[hbm4b:s28+s3] =	stream.linear.scatter [tilespmem:s29], [sflag:$0x6], $0x80, $0x38;
	[tilespmem:$0x10C00] =	vst v63  }
0x1e1: {  	s28 =	sadd.s32 $0x20, s26;
	s29 =	simm.s32 $0xD190  }
0x1e2: {  	[hbm4b:s28+s3] =	stream.linear.scatter [tilespmem:s29], [sflag:$0x6], $0x80, $0x38;
	[tilespmem:$0x10C00] =	vst v63  }
0x1e3: {  	s28 =	sadd.s32 $0x30, s26;
	s29 =	simm.s32 $0xD218  }
0x1e4: {  	[hbm4b:s28+s3] =	stream.linear.scatter [tilespmem:s29], [sflag:$0x6], $0x80, $0x38;
	[tilespmem:$0x10C00] =	vst v63  }
0x1e5: {  	s28 =	sadd.s32 $0x40, s26;
	s29 =	simm.s32 $0xD2A0  }
0x1e6: {  	[hbm4b:s28+s3] =	stream.linear.scatter [tilespmem:s29], [sflag:$0x6], $0x80, $0x38;
	[tilespmem:$0x10C00] =	vst v63  }
0x1e7: {  	s28 =	sadd.s32 $0x50, s26;
	s29 =	simm.s32 $0xD328  }
0x1e8: {  	[hbm4b:s28+s3] =	stream.linear.scatter [tilespmem:s29], [sflag:$0x6], $0x80, $0x38;
	[tilespmem:$0x10C00] =	vst v63  }
0x1e9: {  	s28 =	sadd.s32 $0x60, s26;
	s29 =	simm.s32 $0xD3B0  }
0x1ea: {  	[hbm4b:s28+s3] =	stream.linear.scatter [tilespmem:s29], [sflag:$0x6], $0x80, $0x38;
	[tilespmem:$0x10C00] =	vst v63  }
0x1eb: {  	s28 =	sadd.s32 $0x70, s26;
	s29 =	simm.s32 $0xD438  }
0x1ec: {  	[hbm4b:s28+s3] =	stream.linear.scatter [tilespmem:s29], [sflag:$0x6], $0x80, $0x38;
	[tilespmem:$0x10C00] =	vst v63  }
0x1ed: {  	s28 =	sadd.s32 $0x80, s26;
	s29 =	simm.s32 $0xE180  }
0x1ee: {  	[hbm4b:s28+s3] =	stream.linear.scatter [tilespmem:s29], [sflag:$0x6], $0x80, $0x38;
	[tilespmem:$0x10C00] =	vst v63  }
0x1ef: {  	s28 =	sadd.s32 $0x90, s26;
	s29 =	simm.s32 $0xE208  }
0x1f0: {  	[hbm4b:s28+s3] =	stream.linear.scatter [tilespmem:s29], [sflag:$0x6], $0x80, $0x38;
	[tilespmem:$0x10C00] =	vst v63  }
0x1f1: {  	s28 =	sadd.s32 $0xA0, s26;
	s29 =	simm.s32 $0xE290  }
0x1f2: {  	[hbm4b:s28+s3] =	stream.linear.scatter [tilespmem:s29], [sflag:$0x6], $0x80, $0x38;
	[tilespmem:$0x10C00] =	vst v63  }
0x1f3: {  	s28 =	sadd.s32 $0xB0, s26;
	s29 =	simm.s32 $0xE318  }
0x1f4: {  	[hbm4b:s28+s3] =	stream.linear.scatter [tilespmem:s29], [sflag:$0x6], $0x80, $0x38;
	[tilespmem:$0x10C00] =	vst v63  }
0x1f5: {  	s28 =	sadd.s32 $0xC0, s26;
	s29 =	simm.s32 $0xE3A0  }
0x1f6: {  	[hbm4b:s28+s3] =	stream.linear.scatter [tilespmem:s29], [sflag:$0x6], $0x80, $0x38;
	[tilespmem:$0x10C00] =	vst v63  }
0x1f7: {  	s28 =	sadd.s32 $0xD0, s26;
	s29 =	simm.s32 $0xE428  }
0x1f8: {  	[hbm4b:s28+s3] =	stream.linear.scatter [tilespmem:s29], [sflag:$0x6], $0x80, $0x38;
	[tilespmem:$0x10C00] =	vst v63  }
0x1f9: {  	s28 =	sadd.s32 $0xE0, s26;
	s29 =	simm.s32 $0xE4B0  }
0x1fa: {  	[hbm4b:s28+s3] =	stream.linear.scatter [tilespmem:s29], [sflag:$0x6], $0x80, $0x38;
	[tilespmem:$0x10C00] =	vst v63  }
0x1fb: {  	s28 =	sadd.s32 $0xF0, s26;
	s29 =	simm.s32 $0xE538  }
0x1fc: {  	[hbm4b:s28+s3] =	stream.linear.scatter [tilespmem:s29], [sflag:$0x6], $0x80, $0x38;
	[tilespmem:$0x10C00] =	vst v63  }
0x1fd: {  	s28 =	sadd.s32 $0x100, s26;
	s29 =	simm.s32 $0xF280  }
0x1fe: {  	[hbm4b:s28+s3] =	stream.linear.scatter [tilespmem:s29], [sflag:$0x6], $0x80, $0x38;
	[tilespmem:$0x10C00] =	vst v63  }
0x1ff: {  	s28 =	sadd.s32 $0x110, s26;
	s29 =	simm.s32 $0xF308  }
0x200: {  	[hbm4b:s28+s3] =	stream.linear.scatter [tilespmem:s29], [sflag:$0x6], $0x80, $0x38;
	[tilespmem:$0x10C00] =	vst v63  }
0x201: {  	s28 =	sadd.s32 $0x120, s26;
	s29 =	simm.s32 $0xF390  }
0x202: {  	[hbm4b:s28+s3] =	stream.linear.scatter [tilespmem:s29], [sflag:$0x6], $0x80, $0x38;
	[tilespmem:$0x10C00] =	vst v63  }
0x203: {  	s28 =	sadd.s32 $0x130, s26;
	s29 =	simm.s32 $0xF418  }
0x204: {  	[hbm4b:s28+s3] =	stream.linear.scatter [tilespmem:s29], [sflag:$0x6], $0x80, $0x38;
	[tilespmem:$0x10C00] =	vst v63  }
0x205: {  	s28 =	sadd.s32 $0x140, s26;
	s29 =	simm.s32 $0xF4A0  }
0x206: {  	[hbm4b:s28+s3] =	stream.linear.scatter [tilespmem:s29], [sflag:$0x6], $0x80, $0x38;
	[tilespmem:$0x10C00] =	vst v63  }
0x207: {  	s28 =	sadd.s32 $0x150, s26;
	s29 =	simm.s32 $0xF528  }
0x208: {  	[hbm4b:s28+s3] =	stream.linear.scatter [tilespmem:s29], [sflag:$0x6], $0x80, $0x38;
	[tilespmem:$0x10C00] =	vst v63  }
0x209: {  	s28 =	sadd.s32 $0x160, s26;
	s29 =	simm.s32 $0xF5B0  }
0x20a: {  	[hbm4b:s28+s3] =	stream.linear.scatter [tilespmem:s29], [sflag:$0x6], $0x80, $0x38;
	[tilespmem:$0x10C00] =	vst v63  }
0x20b: {  	s28 =	sadd.s32 $0x170, s26;
	s29 =	simm.s32 $0xF638  }
0x20c: {  	[hbm4b:s28+s3] =	stream.linear.scatter [tilespmem:s29], [sflag:$0x6], $0x80, $0x38;
	[tilespmem:$0x10C00] =	vst v63  }
0x20d: {  	s28 =	sadd.s32 $0x180, s26;
	s29 =	simm.s32 $0x10380  }
0x20e: {  	[hbm4b:s28+s3] =	stream.linear.scatter [tilespmem:s29], [sflag:$0x6], $0x80, $0x38;
	[tilespmem:$0x10C00] =	vst v63  }
0x20f: {  	s28 =	sadd.s32 $0x190, s26;
	s29 =	simm.s32 $0x10408  }
0x210: {  	[hbm4b:s28+s3] =	stream.linear.scatter [tilespmem:s29], [sflag:$0x6], $0x80, $0x38;
	[tilespmem:$0x10C00] =	vst v63  }
0x211: {  	s28 =	sadd.s32 $0x1A0, s26;
	s29 =	simm.s32 $0x10490  }
0x212: {  	[hbm4b:s28+s3] =	stream.linear.scatter [tilespmem:s29], [sflag:$0x6], $0x80, $0x38;
	[tilespmem:$0x10C00] =	vst v63  }
0x213: {  	s28 =	sadd.s32 $0x1B0, s26;
	s29 =	simm.s32 $0x10518  }
0x214: {  	[hbm4b:s28+s3] =	stream.linear.scatter [tilespmem:s29], [sflag:$0x6], $0x80, $0x38;
	[tilespmem:$0x10C00] =	vst v63  }
0x215: {  	s28 =	sadd.s32 $0x1C0, s26;
	s29 =	simm.s32 $0x105A0  }
0x216: {  	[hbm4b:s28+s3] =	stream.linear.scatter [tilespmem:s29], [sflag:$0x6], $0x80, $0x38;
	[tilespmem:$0x10C00] =	vst v63  }
0x217: {  	s28 =	sadd.s32 $0x1D0, s26;
	s29 =	simm.s32 $0x10628  }
0x218: {  	[hbm4b:s28+s3] =	stream.linear.scatter [tilespmem:s29], [sflag:$0x6], $0x80, $0x38;
	[tilespmem:$0x10C00] =	vst v63  }
0x219: {  	s28 =	sadd.s32 $0x1E0, s26;
	s29 =	simm.s32 $0x106B0  }
0x21a: {  	[hbm4b:s28+s3] =	stream.linear.scatter [tilespmem:s29], [sflag:$0x6], $0x80, $0x38;
	[tilespmem:$0x10C00] =	vst v63  }
0x21b: {  	s26 =	sadd.s32 $0x1F0, s26;
	s29 =	simm.s32 $0x10738  }
0x21c: {  	[hbm4b:s26+s3] =	stream.linear.scatter [tilespmem:s29], [sflag:$0x6], $0x80, $0x38;
	[tilespmem:$0x10C00] =	vst v63  }
0x21d: {  	s25 =	sadd.s32 $0x1C000, s25;
	s28 =	simm.s32 $0xD4C0  }
0x21e: {  	[hbm4b:s25+s3] =	stream.linear.scatter [tilespmem:s28], [sflag:$0x6], $0x80, $0x38;
	[tilespmem:$0x10C00] =	vst v63  }
0x21f: {  	s26 =	sadd.s32 $0x10, s25;
	s29 =	simm.s32 $0xD548  }
0x220: {  	[hbm4b:s26+s3] =	stream.linear.scatter [tilespmem:s29], [sflag:$0x6], $0x80, $0x38;
	[tilespmem:$0x10C00] =	vst v63  }
0x221: {  	s26 =	sadd.s32 $0x20, s25;
	s29 =	simm.s32 $0xD5D0  }
0x222: {  	[hbm4b:s26+s3] =	stream.linear.scatter [tilespmem:s29], [sflag:$0x6], $0x80, $0x38;
	[tilespmem:$0x10C00] =	vst v63  }
0x223: {  	s26 =	sadd.s32 $0x30, s25;
	s29 =	simm.s32 $0xD658  }
0x224: {  	[hbm4b:s26+s3] =	stream.linear.scatter [tilespmem:s29], [sflag:$0x6], $0x80, $0x38;
	[tilespmem:$0x10C00] =	vst v63  }
0x225: {  	s26 =	sadd.s32 $0x40, s25;
	s29 =	simm.s32 $0xD6E0  }
0x226: {  	[hbm4b:s26+s3] =	stream.linear.scatter [tilespmem:s29], [sflag:$0x6], $0x80, $0x38;
	[tilespmem:$0x10C00] =	vst v63  }
0x227: {  	s26 =	sadd.s32 $0x50, s25;
	s29 =	simm.s32 $0xD768  }
0x228: {  	[hbm4b:s26+s3] =	stream.linear.scatter [tilespmem:s29], [sflag:$0x6], $0x80, $0x38;
	[tilespmem:$0x10C00] =	vst v63  }
0x229: {  	s26 =	sadd.s32 $0x60, s25;
	s29 =	simm.s32 $0xD7F0  }
0x22a: {  	[hbm4b:s26+s3] =	stream.linear.scatter [tilespmem:s29], [sflag:$0x6], $0x80, $0x38;
	[tilespmem:$0x10C00] =	vst v63  }
0x22b: {  	s26 =	sadd.s32 $0x70, s25;
	s29 =	simm.s32 $0xD878  }
0x22c: {  	[hbm4b:s26+s3] =	stream.linear.scatter [tilespmem:s29], [sflag:$0x6], $0x80, $0x38;
	[tilespmem:$0x10C00] =	vst v63  }
0x22d: {  	s26 =	sadd.s32 $0x80, s25;
	s29 =	simm.s32 $0xE5C0  }
0x22e: {  	[hbm4b:s26+s3] =	stream.linear.scatter [tilespmem:s29], [sflag:$0x6], $0x80, $0x38;
	[tilespmem:$0x10C00] =	vst v63  }
0x22f: {  	s26 =	sadd.s32 $0x90, s25;
	s29 =	simm.s32 $0xE648  }
0x230: {  	[hbm4b:s26+s3] =	stream.linear.scatter [tilespmem:s29], [sflag:$0x6], $0x80, $0x38;
	[tilespmem:$0x10C00] =	vst v63  }
0x231: {  	s26 =	sadd.s32 $0xA0, s25;
	s29 =	simm.s32 $0xE6D0  }
0x232: {  	[hbm4b:s26+s3] =	stream.linear.scatter [tilespmem:s29], [sflag:$0x6], $0x80, $0x38;
	[tilespmem:$0x10C00] =	vst v63  }
0x233: {  	s26 =	sadd.s32 $0xB0, s25;
	s29 =	simm.s32 $0xE758  }
0x234: {  	[hbm4b:s26+s3] =	stream.linear.scatter [tilespmem:s29], [sflag:$0x6], $0x80, $0x38;
	[tilespmem:$0x10C00] =	vst v63  }
0x235: {  	s26 =	sadd.s32 $0xC0, s25;
	s29 =	simm.s32 $0xE7E0  }
0x236: {  	[hbm4b:s26+s3] =	stream.linear.scatter [tilespmem:s29], [sflag:$0x6], $0x80, $0x38;
	[tilespmem:$0x10C00] =	vst v63  }
0x237: {  	s26 =	sadd.s32 $0xD0, s25;
	s29 =	simm.s32 $0xE868  }
0x238: {  	[hbm4b:s26+s3] =	stream.linear.scatter [tilespmem:s29], [sflag:$0x6], $0x80, $0x38;
	[tilespmem:$0x10C00] =	vst v63  }
0x239: {  	s26 =	sadd.s32 $0xE0, s25;
	s29 =	simm.s32 $0xE8F0  }
0x23a: {  	[hbm4b:s26+s3] =	stream.linear.scatter [tilespmem:s29], [sflag:$0x6], $0x80, $0x38;
	[tilespmem:$0x10C00] =	vst v63  }
0x23b: {  	s26 =	sadd.s32 $0xF0, s25;
	s29 =	simm.s32 $0xE978  }
0x23c: {  	[hbm4b:s26+s3] =	stream.linear.scatter [tilespmem:s29], [sflag:$0x6], $0x80, $0x38;
	[tilespmem:$0x10C00] =	vst v63  }
0x23d: {  	s29 =	sadd.s32 $0x100, s25  }
0x23e: {  	[hbm4b:s29+s3] =	stream.linear.scatter [tilespmem:s31], [sflag:$0x6], $0x80, $0x38;
	[tilespmem:$0x10C00] =	vst v63  }
0x23f: {  	s28 =	sadd.s32 $0x110, s25  }
0x240: {  	[hbm4b:s28+s3] =	stream.linear.scatter [tilespmem:s0], [sflag:$0x6], $0x80, $0x38;
	[tilespmem:$0x10C00] =	vst v63  }
0x241: {  	s29 =	sadd.s32 $0x120, s25  }
0x242: {  	[hbm4b:s29+s3] =	stream.linear.scatter [tilespmem:s2], [sflag:$0x6], $0x80, $0x38;
	[tilespmem:$0x10C00] =	vst v63  }
0x243: {  	s28 =	sadd.s32 $0x130, s25  }
0x244: {  	[hbm4b:s28+s3] =	stream.linear.scatter [tilespmem:s13], [sflag:$0x6], $0x80, $0x38;
	[tilespmem:$0x10C00] =	vst v63  }
0x245: {  	s29 =	sadd.s32 $0x140, s25  }
0x246: {  	[hbm4b:s29+s3] =	stream.linear.scatter [tilespmem:s6], [sflag:$0x6], $0x80, $0x38;
	[tilespmem:$0x10C00] =	vst v63  }
0x247: {  	s28 =	sadd.s32 $0x150, s25  }
0x248: {  	[hbm4b:s28+s3] =	stream.linear.scatter [tilespmem:s7], [sflag:$0x6], $0x80, $0x38;
	[tilespmem:$0x10C00] =	vst v63  }
0x249: {  	s29 =	sadd.s32 $0x160, s25  }
0x24a: {  	[hbm4b:s29+s3] =	stream.linear.scatter [tilespmem:s8], [sflag:$0x6], $0x80, $0x38;
	[tilespmem:$0x10C00] =	vst v63  }
0x24b: {  	s28 =	sadd.s32 $0x170, s25  }
0x24c: {  	[hbm4b:s28+s3] =	stream.linear.scatter [tilespmem:s9], [sflag:$0x6], $0x80, $0x38;
	[tilespmem:$0x10C00] =	vst v63  }
0x24d: {  	s29 =	sadd.s32 $0x180, s25  }
0x24e: {  	[hbm4b:s29+s3] =	stream.linear.scatter [tilespmem:s5], [sflag:$0x6], $0x80, $0x38;
	[tilespmem:$0x10C00] =	vst v63  }
0x24f: {  	s28 =	sadd.s32 $0x190, s25  }
0x250: {  	[hbm4b:s28+s3] =	stream.linear.scatter [tilespmem:s11], [sflag:$0x6], $0x80, $0x38;
	[tilespmem:$0x10C00] =	vst v63  }
0x251: {  	s29 =	sadd.s32 $0x1A0, s25  }
0x252: {  	[hbm4b:s29+s3] =	stream.linear.scatter [tilespmem:s1], [sflag:$0x6], $0x80, $0x38;
	[tilespmem:$0x10C00] =	vst v63  }
0x253: {  	s28 =	sadd.s32 $0x1B0, s25  }
0x254: {  	[hbm4b:s28+s3] =	stream.linear.scatter [tilespmem:s12], [sflag:$0x6], $0x80, $0x38;
	[tilespmem:$0x10C00] =	vst v63  }
0x255: {  	s22 =	sadd.s32 $0x20000, s22;
	s29 =	sadd.s32 $0x1C0, s25  }
0x256: {  	[hbm4b:s29+s3] =	stream.linear.scatter [tilespmem:s15], [sflag:$0x6], $0x80, $0x38;
	[tilespmem:$0x10C00] =	vst v63  }
0x257: {  	p0 =	sne.s32 s22, $0xC80000;
	s28 =	sadd.s32 $0x1D0, s25  }
0x258: {  	[hbm4b:s28+s3] =	stream.linear.scatter [tilespmem:s18], [sflag:$0x6], $0x80, $0x38;
	[tilespmem:$0x10C00] =	vst v63  }
.Ltmp3:
0x259: {  	_ = 	snop;
	(pc) =	sbr.rel @!p0 .LBB2_6-.Ltmp3, $4  }
0x25a: {  	s29 =	sadd.s32 $0x1E0, s25  }
0x25b: {  	[hbm4b:s29+s3] =	stream.linear.scatter [tilespmem:s19], [sflag:$0x6], $0x80, $0x38;
	[tilespmem:$0x10C00] =	vst v63  }
0x25c: {  	s23 =	sadd.s32 $0x8000, s23;
	s24 =	sadd.s32 $0x1000, s24;
	s25 =	sadd.s32 $0x1F0, s25  }
0x25d: {  	[hbm4b:s25+s3] =	stream.linear.scatter [tilespmem:s20], [sflag:$0x6], $0x80, $0x38;
	[tilespmem:$0x10C00] =	vst v63  }
.LBB2_2:
0x25e: {  	_ =	swait.ge [sflag:s14], $0x200  }
0x25f: {  	p0 =	seq.s32 s22, $0xC60000;
	[sflag:s14] =	ssyncset.done $0x0  }
0x260: {  	s25 =	simm.s32 $0x4400;
	p1 =	seq.s32 @!p0 s22, $0x0;
	[sflag:s14] =	ssyncadd.s32 $0xFFFFFE00  }
0x261: {  	[tilespmem:s25], [sflag:$0x4] =	stream.indirect.gather [hbm4b:s4+s30], $0x20, s30, s30, $0xb8;
	[tilespmem:$0x10C00] =	vst v63  }
0x262: {  	p1 =	por p0, !p1;
	_ =	swait.ge [sflag:s16], $0x4000  }
.Ltmp4:
0x263: {  	[sflag:s16] =	ssyncset.done $0x0;
	(pc) =	sbr.rel @p1 .LBB2_4-.Ltmp4, $4  }
0x264: {  	[sflag:s16] =	ssyncadd.s32 $0xFFFFC000  }
0x265: {  	s25 =	sshrl.u32 @!p0 s23, $0x3;
	s26 =	rddreg [dreg:$0x0]  }
0x266: {  	s25 =	sadd.s32 @!p0 s26, s25;
	s26 =	simm.s32 @!p0 $0x0  }
0x267: {  	[tilespmem:s26], [sflag:$0x1] =	stream.linear.gather @!p0 [hbm4b:s25+s26], $0x200, $0x38;
	[tilespmem:$0x10C00] =	vst v63  }
.Ltmp5:
0x268: {  	(pc) =	sbr.rel .LBB2_5-.Ltmp5, $2  }
0x269: {  	_ =	sdelay $0x2  }
0x26a: {  	p1 =	por @!p0 $0x1, $0x1  }
.LBB2_7:
0x26b: {  	_ =	sfence.sel $0x180000  }
0x26c: {  	[bflag:$0x0] =	sbarrier.arrive $0xFFFF  }
0x26d: {  	_ =	strace $0x90000047  }
0x26e: {  	s0 =	stileid.u32;
	[bflag:$0x2] =	sbarrier.arrive $0xFFFF  }
0x26f: {  	p0 =	sne.s32 s0, $0x0;
	s0 =	rddreg [dreg:$0x3]  }
0x270: {  	s0 =	sadd.s32 @!p0 $0x100000, s0  }
0x271: {  	[sflag:s0] =	ssyncadd.tile.s32 @!p0 $0x1;
	_ =	shalt  }
.Lfunc_end2:
_tile_overlayer_lowered:
.L_overlay_start_2:
0x272: {  	(tag) =	ssettag $0x2  }
0x273: {  	s0 =	rddreg [dreg:$0x0];
	s2 =	stileid.u32  }
0x274: {  	s1 =	rddreg [dreg:$0x1];
	p0 =	sne.s32 s2, $0x0  }
0x275: {  	s3 =	rddreg [dreg:$0x2];
	[bflag:$0x3] =	sbarrier.arrive $0xFFFF;
	s2 =	simm.s32 @!p0 $0x1C07  }
0x276: {  	[timem:s3], [sflag:s2] =	dma.local @!p0 [hbm:s0], s1  }
0x277: {  	s0 =	simm.s32 @!p0 $0x7  }
0x278: {  	_ =	swait.ge @!p0 [sflag:s0], s1  }
0x279: {  	s1 =	ssub.s32 @!p0 $0x0, s1;
	[sflag:s0] =	ssyncset.done @!p0 $0x0  }
0x27a: {  	[sflag:s0] =	ssyncadd.s32 @!p0 s1  }
0x27b: {  	[bflag:$0x3] =	sbarrier.arrive $0xFFFF  }
0x27c: {  	_ =	shalt  }

</sc_bundles>
